<compile_context>
chip_gen: v7x
topology: tpu7x:2x2x1
jax: 0.10.2.dev20260603
libtpu: 0.0.44.dev20260713+nightly
codegen_flags: <defaults>
</compile_context>

<pallas_src>
import functools

import jax
import jax.numpy as jnp
from jax import lax
from jax.experimental import pallas as pl
from jax.experimental.pallas import tpu as pltpu
from jax.experimental.pallas import tpu_sc as plsc

N_NODES = 10000
N_EDGES = 320000
D_FEAT = 128

_INFO = plsc.get_sparse_core_info()
NC = _INFO.num_cores
NS = _INFO.num_subcores
NW = NC * NS

CHUNK = 128
N_CHUNKS = N_EDGES // CHUNK
BASE_CHUNKS = N_CHUNKS // NW
EXTRA = N_CHUNKS - BASE_CHUNKS * NW
NBUF = 3
NSLOT = 6

ROW_BLOCKS = N_NODES // 8
RB_BASE = ROW_BLOCKS // NS
RB_EXTRA = ROW_BLOCKS - RB_BASE * NS
ROWS_BASE = RB_BASE * 8
ZCHUNK = 120


@functools.partial(
    pl.kernel,
    mesh=plsc.VectorSubcoreMesh(core_axis_name="c", subcore_axis_name="s"),
    out_type=jax.ShapeDtypeStruct((NC, N_NODES, D_FEAT), jnp.float32),
    scratch_types=[
        pltpu.VMEM((NSLOT, 2, CHUNK), jnp.int32),
        pltpu.VMEM((NBUF, CHUNK, D_FEAT), jnp.float32),
        pltpu.VMEM_SHARED((N_NODES, D_FEAT), jnp.float32),
        pltpu.SemaphoreType.DMA,
        pltpu.SemaphoreType.DMA,
        pltpu.SemaphoreType.DMA,
        pltpu.SemaphoreType.DMA,
        pltpu.SemaphoreType.DMA,
        pltpu.SemaphoreType.DMA,
        pltpu.SemaphoreType.DMA,
        pltpu.SemaphoreType.DMA,
        pltpu.SemaphoreType.DMA,
        pltpu.SemaphoreType.DMA,
        pltpu.SemaphoreType.DMA,
        pltpu.SemaphoreType.DMA,
    ],
)
def _sc_scatter_sum(x_hbm, edges_hbm, out_hbm, iv, rows_v, acc,
                    gs0, gs1, gs2, ss0, ss1, ss2,
                    is0, is1, is2, is3, is4, is5):
    c = lax.axis_index("c")
    s = lax.axis_index("s")
    wid = s * NC + c
    gsems = (gs0, gs1, gs2)
    ssems = (ss0, ss1, ss2)
    isems = (is0, is1, is2, is3, is4, is5)

    zero16 = jnp.zeros((16,), jnp.float32)

    def _zero_row(r, carry):
        for j in range(D_FEAT // 16):
            rows_v[0, r, pl.ds(j * 16, 16)] = zero16
        return carry

    lax.fori_loop(0, ZCHUNK, _zero_row, 0)

    row0 = (s * RB_BASE + jnp.minimum(s, RB_EXTRA)) * 8
    has_extra_rows = s < RB_EXTRA
    n_zfull = ROWS_BASE // ZCHUNK
    ztail = ROWS_BASE - n_zfull * ZCHUNK
    for k in range(n_zfull):
        pltpu.sync_copy(rows_v.at[0, pl.ds(0, ZCHUNK)],
                        acc.at[pl.ds(row0 + k * ZCHUNK, ZCHUNK)])
    pltpu.sync_copy(rows_v.at[0, pl.ds(0, ztail)],
                    acc.at[pl.ds(row0 + n_zfull * ZCHUNK, ztail)])

    @pl.when(has_extra_rows)
    def _zero_extra():
        pltpu.sync_copy(rows_v.at[0, pl.ds(0, 8)],
                        acc.at[pl.ds(row0 + ROWS_BASE, 8)])

    plsc.subcore_barrier()

    start = wid * BASE_CHUNKS + jnp.minimum(wid, EXTRA)
    n_chunks = BASE_CHUNKS + jnp.where(wid < EXTRA, 1, 0)

    def _fire_iload(j, q):
        pltpu.async_copy(edges_hbm.at[:, pl.ds((start + j) * CHUNK, CHUNK)],
                         iv.at[q], isems[q])

    def _wait_iload(q):
        pltpu.make_async_copy(edges_hbm.at[:, pl.ds(0, CHUNK)], iv.at[q],
                              isems[q]).wait()

    def _fire_gather(q, b):
        pltpu.async_copy(x_hbm.at[iv.at[q, 1]], rows_v.at[b], gsems[b])

    def _wait_gather(b):
        pltpu.make_async_copy(x_hbm.at[pl.ds(0, CHUNK)], rows_v.at[b],
                              gsems[b]).wait()

    def _fire_scatter(q, b):
        pltpu.async_copy(rows_v.at[b], acc.at[iv.at[q, 0]], ssems[b], add=True)

    def _wait_scatter(b):
        pltpu.make_async_copy(rows_v.at[b], acc.at[iv.at[0, 0]],
                              ssems[b]).wait()

    for q in range(4):
        _fire_iload(q, q)
    for b in range(2):
        _wait_iload(b)
        _fire_gather(b, b)

    def _group6(g, carry):
        for k in range(NSLOT):
            j = g * NSLOT + k
            b = k % NBUF
            bp = (k - 1) % NBUF
            _wait_gather(b)
            _fire_scatter(k, b)
            if k == 0:
                @pl.when(j > 0)
                def _wait_prev0():
                    _wait_scatter(bp)
            else:
                _wait_scatter(bp)

            @pl.when(j + 4 < n_chunks)
            def _refill_idx():
                _fire_iload(j + 4, (k + 4) % NSLOT)

            @pl.when(j + 2 < n_chunks)
            def _next_gather():
                _wait_iload((k + 2) % NSLOT)
                _fire_gather((k + 2) % NSLOT, (k + 2) % NBUF)
        return carry

    lax.fori_loop(0, BASE_CHUNKS // NSLOT, _group6, 0)

    @pl.when(n_chunks > BASE_CHUNKS)
    def _tail_chunk():
        _wait_gather(BASE_CHUNKS % NBUF)
        _fire_scatter(BASE_CHUNKS % NSLOT, BASE_CHUNKS % NBUF)

    _wait_scatter((BASE_CHUNKS - 1) % NBUF)

    @pl.when(n_chunks > BASE_CHUNKS)
    def _tail_drain():
        _wait_scatter(BASE_CHUNKS % NBUF)

    plsc.subcore_barrier()

    pltpu.sync_copy(acc.at[pl.ds(row0, ROWS_BASE)],
                    out_hbm.at[c, pl.ds(row0, ROWS_BASE)])

    @pl.when(has_extra_rows)
    def _write_extra():
        pltpu.sync_copy(acc.at[pl.ds(row0 + ROWS_BASE, 8)],
                        out_hbm.at[c, pl.ds(row0 + ROWS_BASE, 8)])


def _combine_body(p_ref, o_ref):
    o_ref[...] = p_ref[0] + p_ref[1]


_ROW_BLOCK = 2000

_combine = pl.pallas_call(
    _combine_body,
    out_shape=jax.ShapeDtypeStruct((N_NODES, D_FEAT), jnp.float32),
    grid=(N_NODES // _ROW_BLOCK,),
    in_specs=[pl.BlockSpec((NC, _ROW_BLOCK, D_FEAT), lambda i: (0, i, 0))],
    out_specs=pl.BlockSpec((_ROW_BLOCK, D_FEAT), lambda i: (i, 0)),
)


def kernel(x, edge_index):
    partials = _sc_scatter_sum(x, edge_index.astype(jnp.int32))
    return _combine(partials)

# --- scband reference (transcript-rebuilt; emitter-appended) ---
"""Pipeline reference for scband-temp-message-passing-19645180412750 (READ-ONLY COPY).

The authoritative reference and input builder live on the scoring server;
editing this copy changes nothing except your own understanding.
"""

import jax, jax.numpy as jnp
import numpy as np

N_NODES = 10000
N_EDGES = 320000
D_FEAT = 128


def setup_inputs(seed: int = 0) -> dict:
    key = jax.random.key(seed)
    k1, k2 = jax.random.split(key)
    x = jax.random.normal(k1, (N_NODES, D_FEAT), dtype=jnp.float32)
    edge_index = jax.random.randint(k2, (2, N_EDGES), 0, N_NODES, dtype=jnp.int64)
    return {"x": x, "edge_index": edge_index}


def reference(x, edge_index):
    # tempMessagePassing.propagate('sum', edge_index, x=x):
    #   message(x_j): gather x at source nodes edge_index[1]
    #   scatter_('sum', out, edge_index[0], dim_size=N): scatter-add to dst nodes
    #   update(aggr_out): identity
    msgs = jnp.take(x, edge_index[1], axis=0)           # x_j gather
    out = jax.ops.segment_sum(msgs, edge_index[0], num_segments=x.shape[0])
    return out

if __name__ == "__main__":
    import jax
    _d = setup_inputs()
    print(jax.jit(kernel)(*tuple(_d.values())))

</pallas_src>

<mosaic_0001>
#map = affine_map<(d0, d1) -> (0, 0)>
#map1 = affine_map<(d0, d1) -> (0, 0, 0)>
module attributes {stable_mosaic.version = 14 : i64} {
  func.func @_sc_scatter_sum(%arg0: i32, %arg1: i32, %arg2: memref<10000x128xf32, #tpu.memory_space<hbm>>, %arg3: memref<2x320000xi32, #tpu.memory_space<hbm>>, %arg4: memref<2x10000x128xf32, #tpu.memory_space<hbm>>, %arg5: memref<6x2x128xi32, #tpu.memory_space<vmem>>, %arg6: memref<3x128x128xf32, #tpu.memory_space<vmem>>, %arg7: memref<10000x128xf32, #tpu.memory_space<vmem_shared>>, %arg8: memref<!tpu.dma_semaphore, #tpu.memory_space<semaphore_mem>>, %arg9: memref<!tpu.dma_semaphore, #tpu.memory_space<semaphore_mem>>, %arg10: memref<!tpu.dma_semaphore, #tpu.memory_space<semaphore_mem>>, %arg11: memref<!tpu.dma_semaphore, #tpu.memory_space<semaphore_mem>>, %arg12: memref<!tpu.dma_semaphore, #tpu.memory_space<semaphore_mem>>, %arg13: memref<!tpu.dma_semaphore, #tpu.memory_space<semaphore_mem>>, %arg14: memref<!tpu.dma_semaphore, #tpu.memory_space<semaphore_mem>>, %arg15: memref<!tpu.dma_semaphore, #tpu.memory_space<semaphore_mem>>, %arg16: memref<!tpu.dma_semaphore, #tpu.memory_space<semaphore_mem>>, %arg17: memref<!tpu.dma_semaphore, #tpu.memory_space<semaphore_mem>>, %arg18: memref<!tpu.dma_semaphore, #tpu.memory_space<semaphore_mem>>, %arg19: memref<!tpu.dma_semaphore, #tpu.memory_space<semaphore_mem>>) attributes {dimension_semantics = [#tpu.dimension_semantics<core_parallel>, #tpu.dimension_semantics<subcore_parallel>], iteration_bounds = array<i64: 2, 16>, scalar_prefetch = 0 : i64, scratch_operands = 15 : i64, tpu.core_type = #tpu.core_type<sc_vector_subcore>, window_params = [{transform_indices = #map}, {transform_indices = #map}, {transform_indices = #map1}]} {
    %mul3A = arith.constant 2 : i32
    %mul3A_0 = arith.muli %arg1, %mul3A : i32
    %add3A = arith.addi %mul3A_0, %arg0 : i32
    %broadcast_in_dim3A = arith.constant 0.000000e+00 : f32
    %broadcast_in_dim3A_1 = vector.broadcast %broadcast_in_dim3A : f32 to vector<16xf32>
    %scan3A = arith.constant 0 : i32
    %scan3A_2 = arith.constant 0 : i32
    %scan3A_3 = arith.constant 120 : i32
    %scan3A_4 = arith.addi %scan3A_2, %scan3A_3 : i32
    %scan3A_5 = arith.constant 1 : i32
    scf.for %scan3A_196 = %scan3A_2 to %scan3A_4 step %scan3A_5  : i32 {
      %swap3A = arith.constant 0 : i32
      %swap3A_197 = arith.index_cast %swap3A : i32 to index
      %swap3A_198 = arith.index_cast %scan3A_196 : i32 to index
      %swap3A_199 = arith.constant 0 : index
      %swap3A_200 = tpu.vector_load %arg6[%swap3A_197, %swap3A_198, %swap3A_199] {strides = array<i32>} : memref<3x128x128xf32, #tpu.memory_space<vmem>>, vector<1x1x16xf32>,
      %swap3A_201 = vector.shape_cast %swap3A_200 : vector<1x1x16xf32> to vector<16xf32>
      %swap3A_202 = vector.shape_cast %broadcast_in_dim3A_1 : vector<16xf32> to vector<1x1x16xf32>
      tpu.vector_store %arg6[%swap3A_197, %swap3A_198, %swap3A_199], %swap3A_202 {strides = array<i32>} : memref<3x128x128xf32, #tpu.memory_space<vmem>>, vector<1x1x16xf32>,
      %swap3A_203 = arith.constant 0 : i32
      %swap3A_204 = arith.index_cast %swap3A_203 : i32 to index
      %swap3A_205 = arith.index_cast %scan3A_196 : i32 to index
      %swap3A_206 = arith.constant 16 : index
      %swap3A_207 = tpu.vector_load %arg6[%swap3A_204, %swap3A_205, %swap3A_206] {strides = array<i32>} : memref<3x128x128xf32, #tpu.memory_space<vmem>>, vector<1x1x16xf32>,
      %swap3A_208 = vector.shape_cast %swap3A_207 : vector<1x1x16xf32> to vector<16xf32>
      %swap3A_209 = vector.shape_cast %broadcast_in_dim3A_1 : vector<16xf32> to vector<1x1x16xf32>
      tpu.vector_store %arg6[%swap3A_204, %swap3A_205, %swap3A_206], %swap3A_209 {strides = array<i32>} : memref<3x128x128xf32, #tpu.memory_space<vmem>>, vector<1x1x16xf32>,
      %swap3A_210 = arith.constant 0 : i32
      %swap3A_211 = arith.index_cast %swap3A_210 : i32 to index
      %swap3A_212 = arith.index_cast %scan3A_196 : i32 to index
      %swap3A_213 = arith.constant 32 : index
      %swap3A_214 = tpu.vector_load %arg6[%swap3A_211, %swap3A_212, %swap3A_213] {strides = array<i32>} : memref<3x128x128xf32, #tpu.memory_space<vmem>>, vector<1x1x16xf32>,
      %swap3A_215 = vector.shape_cast %swap3A_214 : vector<1x1x16xf32> to vector<16xf32>
      %swap3A_216 = vector.shape_cast %broadcast_in_dim3A_1 : vector<16xf32> to vector<1x1x16xf32>
      tpu.vector_store %arg6[%swap3A_211, %swap3A_212, %swap3A_213], %swap3A_216 {strides = array<i32>} : memref<3x128x128xf32, #tpu.memory_space<vmem>>, vector<1x1x16xf32>,
      %swap3A_217 = arith.constant 0 : i32
      %swap3A_218 = arith.index_cast %swap3A_217 : i32 to index
      %swap3A_219 = arith.index_cast %scan3A_196 : i32 to index
      %swap3A_220 = arith.constant 48 : index
      %swap3A_221 = tpu.vector_load %arg6[%swap3A_218, %swap3A_219, %swap3A_220] {strides = array<i32>} : memref<3x128x128xf32, #tpu.memory_space<vmem>>, vector<1x1x16xf32>,
      %swap3A_222 = vector.shape_cast %swap3A_221 : vector<1x1x16xf32> to vector<16xf32>
      %swap3A_223 = vector.shape_cast %broadcast_in_dim3A_1 : vector<16xf32> to vector<1x1x16xf32>
      tpu.vector_store %arg6[%swap3A_218, %swap3A_219, %swap3A_220], %swap3A_223 {strides = array<i32>} : memref<3x128x128xf32, #tpu.memory_space<vmem>>, vector<1x1x16xf32>,
      %swap3A_224 = arith.constant 0 : i32
      %swap3A_225 = arith.index_cast %swap3A_224 : i32 to index
      %swap3A_226 = arith.index_cast %scan3A_196 : i32 to index
      %swap3A_227 = arith.constant 64 : index
      %swap3A_228 = tpu.vector_load %arg6[%swap3A_225, %swap3A_226, %swap3A_227] {strides = array<i32>} : memref<3x128x128xf32, #tpu.memory_space<vmem>>, vector<1x1x16xf32>,
      %swap3A_229 = vector.shape_cast %swap3A_228 : vector<1x1x16xf32> to vector<16xf32>
      %swap3A_230 = vector.shape_cast %broadcast_in_dim3A_1 : vector<16xf32> to vector<1x1x16xf32>
      tpu.vector_store %arg6[%swap3A_225, %swap3A_226, %swap3A_227], %swap3A_230 {strides = array<i32>} : memref<3x128x128xf32, #tpu.memory_space<vmem>>, vector<1x1x16xf32>,
      %swap3A_231 = arith.constant 0 : i32
      %swap3A_232 = arith.index_cast %swap3A_231 : i32 to index
      %swap3A_233 = arith.index_cast %scan3A_196 : i32 to index
      %swap3A_234 = arith.constant 80 : index
      %swap3A_235 = tpu.vector_load %arg6[%swap3A_232, %swap3A_233, %swap3A_234] {strides = array<i32>} : memref<3x128x128xf32, #tpu.memory_space<vmem>>, vector<1x1x16xf32>,
      %swap3A_236 = vector.shape_cast %swap3A_235 : vector<1x1x16xf32> to vector<16xf32>
      %swap3A_237 = vector.shape_cast %broadcast_in_dim3A_1 : vector<16xf32> to vector<1x1x16xf32>
      tpu.vector_store %arg6[%swap3A_232, %swap3A_233, %swap3A_234], %swap3A_237 {strides = array<i32>} : memref<3x128x128xf32, #tpu.memory_space<vmem>>, vector<1x1x16xf32>,
      %swap3A_238 = arith.constant 0 : i32
      %swap3A_239 = arith.index_cast %swap3A_238 : i32 to index
      %swap3A_240 = arith.index_cast %scan3A_196 : i32 to index
      %swap3A_241 = arith.constant 96 : index
      %swap3A_242 = tpu.vector_load %arg6[%swap3A_239, %swap3A_240, %swap3A_241] {strides = array<i32>} : memref<3x128x128xf32, #tpu.memory_space<vmem>>, vector<1x1x16xf32>,
      %swap3A_243 = vector.shape_cast %swap3A_242 : vector<1x1x16xf32> to vector<16xf32>
      %swap3A_244 = vector.shape_cast %broadcast_in_dim3A_1 : vector<16xf32> to vector<1x1x16xf32>
      tpu.vector_store %arg6[%swap3A_239, %swap3A_240, %swap3A_241], %swap3A_244 {strides = array<i32>} : memref<3x128x128xf32, #tpu.memory_space<vmem>>, vector<1x1x16xf32>,
      %swap3A_245 = arith.constant 0 : i32
      %swap3A_246 = arith.index_cast %swap3A_245 : i32 to index
      %swap3A_247 = arith.index_cast %scan3A_196 : i32 to index
      %swap3A_248 = arith.constant 112 : index
      %swap3A_249 = tpu.vector_load %arg6[%swap3A_246, %swap3A_247, %swap3A_248] {strides = array<i32>} : memref<3x128x128xf32, #tpu.memory_space<vmem>>, vector<1x1x16xf32>,
      %swap3A_250 = vector.shape_cast %swap3A_249 : vector<1x1x16xf32> to vector<16xf32>
      %swap3A_251 = vector.shape_cast %broadcast_in_dim3A_1 : vector<16xf32> to vector<1x1x16xf32>
      tpu.vector_store %arg6[%swap3A_246, %swap3A_247, %swap3A_248], %swap3A_251 {strides = array<i32>} : memref<3x128x128xf32, #tpu.memory_space<vmem>>, vector<1x1x16xf32>,
    }
    %scan3A_6 = arith.constant 120 : i32
    %mul3A_7 = arith.constant 78 : i32
    %mul3A_8 = arith.muli %arg1, %mul3A_7 : i32
    %min3A = arith.constant 2 : i32
    %min3A_9 = arith.minsi %arg1, %min3A : i32
    %add3A_10 = arith.addi %mul3A_8, %min3A_9 : i32
    %mul3A_11 = arith.constant 8 : i32
    %mul3A_12 = arith.muli %add3A_10, %mul3A_11 : i32
    %lt3A = arith.constant 2 : i32
    %lt3A_13 = arith.cmpi slt, %arg1, %lt3A : i32
    %add3A_14 = arith.constant 0 : i32
    %add3A_15 = arith.addi %mul3A_12, %add3A_14 : i32
    %run_scoped3A = arith.constant 0 : i32
    "tpu.region"() ({
      %run_scoped3A_196 = tpu.sem_alloc : memref<!tpu.dma_semaphore, #tpu.memory_space<semaphore_mem>>
      %dma_start3A_197 = arith.constant 0 : i32
      %dma_start3A_198 = arith.constant 0 : i32
      %dma_start3A_199 = tpu.memref_slice %arg6[%run_scoped3A, %dma_start3A_197, %dma_start3A_198] : memref<3x128x128xf32, #tpu.memory_space<vmem>> -> memref<1x120x128xf32, #tpu.memory_space<vmem>>
      %dma_start3A_200 = tpu.memref_squeeze %dma_start3A_199 : memref<1x120x128xf32, #tpu.memory_space<vmem>> -> memref<120x128xf32, #tpu.memory_space<vmem>>
      %dma_start3A_201 = arith.constant 0 : i32
      %dma_start3A_202 = tpu.memref_slice %arg7[%add3A_15, %dma_start3A_201] : memref<10000x128xf32, #tpu.memory_space<vmem_shared>> -> memref<120x128xf32, #tpu.memory_space<vmem_shared>>
      %dma_start3A_203 = arith.constant 0 : i32
      %dma_start3A_204 = tpu.memref_slice %arg7[%add3A_15, %dma_start3A_203] : memref<10000x128xf32, #tpu.memory_space<vmem_shared>> -> memref<120x128xf32, #tpu.memory_space<vmem_shared>>
      %dma_start3A_205 = arith.constant 0 : i32
      %dma_start3A_206 = arith.constant 0 : i32
      %dma_start3A_207 = tpu.memref_slice %arg6[%run_scoped3A, %dma_start3A_205, %dma_start3A_206] : memref<3x128x128xf32, #tpu.memory_space<vmem>> -> memref<1x120x128xf32, #tpu.memory_space<vmem>>
      %dma_start3A_208 = tpu.memref_squeeze %dma_start3A_207 : memref<1x120x128xf32, #tpu.memory_space<vmem>> -> memref<120x128xf32, #tpu.memory_space<vmem>>
      tpu.enqueue_dma source(%dma_start3A_208 : memref<120x128xf32, #tpu.memory_space<vmem>>) target(%dma_start3A_204 : memref<120x128xf32, #tpu.memory_space<vmem_shared>>) target_semaphore(%run_scoped3A_196 : memref<!tpu.dma_semaphore, #tpu.memory_space<semaphore_mem>>)
      %dma_wait3A_209 = arith.constant 0 : i32
      %dma_wait3A_210 = arith.constant 0 : i32
      %dma_wait3A_211 = tpu.memref_slice %arg6[%run_scoped3A, %dma_wait3A_209, %dma_wait3A_210] : memref<3x128x128xf32, #tpu.memory_space<vmem>> -> memref<1x120x128xf32, #tpu.memory_space<vmem>>
      %dma_wait3A_212 = tpu.memref_squeeze %dma_wait3A_211 : memref<1x120x128xf32, #tpu.memory_space<vmem>> -> memref<120x128xf32, #tpu.memory_space<vmem>>
      %dma_wait3A_213 = arith.constant 0 : i32
      %dma_wait3A_214 = tpu.memref_slice %arg7[%add3A_15, %dma_wait3A_213] : memref<10000x128xf32, #tpu.memory_space<vmem_shared>> -> memref<120x128xf32, #tpu.memory_space<vmem_shared>>
      %dma_wait3A_215 = arith.constant 0 : i32
      %dma_wait3A_216 = tpu.memref_slice %arg7[%add3A_15, %dma_wait3A_215] : memref<10000x128xf32, #tpu.memory_space<vmem_shared>> -> memref<120x128xf32, #tpu.memory_space<vmem_shared>>
      %dma_wait3A_217 = arith.constant 0 : i32
      %dma_wait3A_218 = arith.constant 0 : i32
      %dma_wait3A_219 = tpu.memref_slice %arg6[%run_scoped3A, %dma_wait3A_217, %dma_wait3A_218] : memref<3x128x128xf32, #tpu.memory_space<vmem>> -> memref<1x120x128xf32, #tpu.memory_space<vmem>>
      %dma_wait3A_220 = tpu.memref_squeeze %dma_wait3A_219 : memref<1x120x128xf32, #tpu.memory_space<vmem>> -> memref<120x128xf32, #tpu.memory_space<vmem>>
      tpu.wait_dma2 semaphore(%run_scoped3A_196 : memref<!tpu.dma_semaphore, #tpu.memory_space<semaphore_mem>>) src(%dma_wait3A_220 : memref<120x128xf32, #tpu.memory_space<vmem>>) dst(%dma_wait3A_216 : memref<120x128xf32, #tpu.memory_space<vmem_shared>>)
      tpu.yield
    }) : () -> ()
    %add3A_16 = arith.constant 120 : i32
    %add3A_17 = arith.addi %mul3A_12, %add3A_16 : i32
    %run_scoped3A_18 = arith.constant 0 : i32
    "tpu.region"() ({
      %run_scoped3A_196 = tpu.sem_alloc : memref<!tpu.dma_semaphore, #tpu.memory_space<semaphore_mem>>
      %dma_start3A_197 = arith.constant 0 : i32
      %dma_start3A_198 = arith.constant 0 : i32
      %dma_start3A_199 = tpu.memref_slice %arg6[%run_scoped3A_18, %dma_start3A_197, %dma_start3A_198] : memref<3x128x128xf32, #tpu.memory_space<vmem>> -> memref<1x120x128xf32, #tpu.memory_space<vmem>>
      %dma_start3A_200 = tpu.memref_squeeze %dma_start3A_199 : memref<1x120x128xf32, #tpu.memory_space<vmem>> -> memref<120x128xf32, #tpu.memory_space<vmem>>
      %dma_start3A_201 = arith.constant 0 : i32
      %dma_start3A_202 = tpu.memref_slice %arg7[%add3A_17, %dma_start3A_201] : memref<10000x128xf32, #tpu.memory_space<vmem_shared>> -> memref<120x128xf32, #tpu.memory_space<vmem_shared>>
      %dma_start3A_203 = arith.constant 0 : i32
      %dma_start3A_204 = tpu.memref_slice %arg7[%add3A_17, %dma_start3A_203] : memref<10000x128xf32, #tpu.memory_space<vmem_shared>> -> memref<120x128xf32, #tpu.memory_space<vmem_shared>>
      %dma_start3A_205 = arith.constant 0 : i32
      %dma_start3A_206 = arith.constant 0 : i32
      %dma_start3A_207 = tpu.memref_slice %arg6[%run_scoped3A_18, %dma_start3A_205, %dma_start3A_206] : memref<3x128x128xf32, #tpu.memory_space<vmem>> -> memref<1x120x128xf32, #tpu.memory_space<vmem>>
      %dma_start3A_208 = tpu.memref_squeeze %dma_start3A_207 : memref<1x120x128xf32, #tpu.memory_space<vmem>> -> memref<120x128xf32, #tpu.memory_space<vmem>>
      tpu.enqueue_dma source(%dma_start3A_208 : memref<120x128xf32, #tpu.memory_space<vmem>>) target(%dma_start3A_204 : memref<120x128xf32, #tpu.memory_space<vmem_shared>>) target_semaphore(%run_scoped3A_196 : memref<!tpu.dma_semaphore, #tpu.memory_space<semaphore_mem>>)
      %dma_wait3A_209 = arith.constant 0 : i32
      %dma_wait3A_210 = arith.constant 0 : i32
      %dma_wait3A_211 = tpu.memref_slice %arg6[%run_scoped3A_18, %dma_wait3A_209, %dma_wait3A_210] : memref<3x128x128xf32, #tpu.memory_space<vmem>> -> memref<1x120x128xf32, #tpu.memory_space<vmem>>
      %dma_wait3A_212 = tpu.memref_squeeze %dma_wait3A_211 : memref<1x120x128xf32, #tpu.memory_space<vmem>> -> memref<120x128xf32, #tpu.memory_space<vmem>>
      %dma_wait3A_213 = arith.constant 0 : i32
      %dma_wait3A_214 = tpu.memref_slice %arg7[%add3A_17, %dma_wait3A_213] : memref<10000x128xf32, #tpu.memory_space<vmem_shared>> -> memref<120x128xf32, #tpu.memory_space<vmem_shared>>
      %dma_wait3A_215 = arith.constant 0 : i32
      %dma_wait3A_216 = tpu.memref_slice %arg7[%add3A_17, %dma_wait3A_215] : memref<10000x128xf32, #tpu.memory_space<vmem_shared>> -> memref<120x128xf32, #tpu.memory_space<vmem_shared>>
      %dma_wait3A_217 = arith.constant 0 : i32
      %dma_wait3A_218 = arith.constant 0 : i32
      %dma_wait3A_219 = tpu.memref_slice %arg6[%run_scoped3A_18, %dma_wait3A_217, %dma_wait3A_218] : memref<3x128x128xf32, #tpu.memory_space<vmem>> -> memref<1x120x128xf32, #tpu.memory_space<vmem>>
      %dma_wait3A_220 = tpu.memref_squeeze %dma_wait3A_219 : memref<1x120x128xf32, #tpu.memory_space<vmem>> -> memref<120x128xf32, #tpu.memory_space<vmem>>
      tpu.wait_dma2 semaphore(%run_scoped3A_196 : memref<!tpu.dma_semaphore, #tpu.memory_space<semaphore_mem>>) src(%dma_wait3A_220 : memref<120x128xf32, #tpu.memory_space<vmem>>) dst(%dma_wait3A_216 : memref<120x128xf32, #tpu.memory_space<vmem_shared>>)
      tpu.yield
    }) : () -> ()
    %add3A_19 = arith.constant 240 : i32
    %add3A_20 = arith.addi %mul3A_12, %add3A_19 : i32
    %run_scoped3A_21 = arith.constant 0 : i32
    "tpu.region"() ({
      %run_scoped3A_196 = tpu.sem_alloc : memref<!tpu.dma_semaphore, #tpu.memory_space<semaphore_mem>>
      %dma_start3A_197 = arith.constant 0 : i32
      %dma_start3A_198 = arith.constant 0 : i32
      %dma_start3A_199 = tpu.memref_slice %arg6[%run_scoped3A_21, %dma_start3A_197, %dma_start3A_198] : memref<3x128x128xf32, #tpu.memory_space<vmem>> -> memref<1x120x128xf32, #tpu.memory_space<vmem>>
      %dma_start3A_200 = tpu.memref_squeeze %dma_start3A_199 : memref<1x120x128xf32, #tpu.memory_space<vmem>> -> memref<120x128xf32, #tpu.memory_space<vmem>>
      %dma_start3A_201 = arith.constant 0 : i32
      %dma_start3A_202 = tpu.memref_slice %arg7[%add3A_20, %dma_start3A_201] : memref<10000x128xf32, #tpu.memory_space<vmem_shared>> -> memref<120x128xf32, #tpu.memory_space<vmem_shared>>
      %dma_start3A_203 = arith.constant 0 : i32
      %dma_start3A_204 = tpu.memref_slice %arg7[%add3A_20, %dma_start3A_203] : memref<10000x128xf32, #tpu.memory_space<vmem_shared>> -> memref<120x128xf32, #tpu.memory_space<vmem_shared>>
      %dma_start3A_205 = arith.constant 0 : i32
      %dma_start3A_206 = arith.constant 0 : i32
      %dma_start3A_207 = tpu.memref_slice %arg6[%run_scoped3A_21, %dma_start3A_205, %dma_start3A_206] : memref<3x128x128xf32, #tpu.memory_space<vmem>> -> memref<1x120x128xf32, #tpu.memory_space<vmem>>
      %dma_start3A_208 = tpu.memref_squeeze %dma_start3A_207 : memref<1x120x128xf32, #tpu.memory_space<vmem>> -> memref<120x128xf32, #tpu.memory_space<vmem>>
      tpu.enqueue_dma source(%dma_start3A_208 : memref<120x128xf32, #tpu.memory_space<vmem>>) target(%dma_start3A_204 : memref<120x128xf32, #tpu.memory_space<vmem_shared>>) target_semaphore(%run_scoped3A_196 : memref<!tpu.dma_semaphore, #tpu.memory_space<semaphore_mem>>)
      %dma_wait3A_209 = arith.constant 0 : i32
      %dma_wait3A_210 = arith.constant 0 : i32
      %dma_wait3A_211 = tpu.memref_slice %arg6[%run_scoped3A_21, %dma_wait3A_209, %dma_wait3A_210] : memref<3x128x128xf32, #tpu.memory_space<vmem>> -> memref<1x120x128xf32, #tpu.memory_space<vmem>>
      %dma_wait3A_212 = tpu.memref_squeeze %dma_wait3A_211 : memref<1x120x128xf32, #tpu.memory_space<vmem>> -> memref<120x128xf32, #tpu.memory_space<vmem>>
      %dma_wait3A_213 = arith.constant 0 : i32
      %dma_wait3A_214 = tpu.memref_slice %arg7[%add3A_20, %dma_wait3A_213] : memref<10000x128xf32, #tpu.memory_space<vmem_shared>> -> memref<120x128xf32, #tpu.memory_space<vmem_shared>>
      %dma_wait3A_215 = arith.constant 0 : i32
      %dma_wait3A_216 = tpu.memref_slice %arg7[%add3A_20, %dma_wait3A_215] : memref<10000x128xf32, #tpu.memory_space<vmem_shared>> -> memref<120x128xf32, #tpu.memory_space<vmem_shared>>
      %dma_wait3A_217 = arith.constant 0 : i32
      %dma_wait3A_218 = arith.constant 0 : i32
      %dma_wait3A_219 = tpu.memref_slice %arg6[%run_scoped3A_21, %dma_wait3A_217, %dma_wait3A_218] : memref<3x128x128xf32, #tpu.memory_space<vmem>> -> memref<1x120x128xf32, #tpu.memory_space<vmem>>
      %dma_wait3A_220 = tpu.memref_squeeze %dma_wait3A_219 : memref<1x120x128xf32, #tpu.memory_space<vmem>> -> memref<120x128xf32, #tpu.memory_space<vmem>>
      tpu.wait_dma2 semaphore(%run_scoped3A_196 : memref<!tpu.dma_semaphore, #tpu.memory_space<semaphore_mem>>) src(%dma_wait3A_220 : memref<120x128xf32, #tpu.memory_space<vmem>>) dst(%dma_wait3A_216 : memref<120x128xf32, #tpu.memory_space<vmem_shared>>)
      tpu.yield
    }) : () -> ()
    %add3A_22 = arith.constant 360 : i32
    %add3A_23 = arith.addi %mul3A_12, %add3A_22 : i32
    %run_scoped3A_24 = arith.constant 0 : i32
    "tpu.region"() ({
      %run_scoped3A_196 = tpu.sem_alloc : memref<!tpu.dma_semaphore, #tpu.memory_space<semaphore_mem>>
      %dma_start3A_197 = arith.constant 0 : i32
      %dma_start3A_198 = arith.constant 0 : i32
      %dma_start3A_199 = tpu.memref_slice %arg6[%run_scoped3A_24, %dma_start3A_197, %dma_start3A_198] : memref<3x128x128xf32, #tpu.memory_space<vmem>> -> memref<1x120x128xf32, #tpu.memory_space<vmem>>
      %dma_start3A_200 = tpu.memref_squeeze %dma_start3A_199 : memref<1x120x128xf32, #tpu.memory_space<vmem>> -> memref<120x128xf32, #tpu.memory_space<vmem>>
      %dma_start3A_201 = arith.constant 0 : i32
      %dma_start3A_202 = tpu.memref_slice %arg7[%add3A_23, %dma_start3A_201] : memref<10000x128xf32, #tpu.memory_space<vmem_shared>> -> memref<120x128xf32, #tpu.memory_space<vmem_shared>>
      %dma_start3A_203 = arith.constant 0 : i32
      %dma_start3A_204 = tpu.memref_slice %arg7[%add3A_23, %dma_start3A_203] : memref<10000x128xf32, #tpu.memory_space<vmem_shared>> -> memref<120x128xf32, #tpu.memory_space<vmem_shared>>
      %dma_start3A_205 = arith.constant 0 : i32
      %dma_start3A_206 = arith.constant 0 : i32
      %dma_start3A_207 = tpu.memref_slice %arg6[%run_scoped3A_24, %dma_start3A_205, %dma_start3A_206] : memref<3x128x128xf32, #tpu.memory_space<vmem>> -> memref<1x120x128xf32, #tpu.memory_space<vmem>>
      %dma_start3A_208 = tpu.memref_squeeze %dma_start3A_207 : memref<1x120x128xf32, #tpu.memory_space<vmem>> -> memref<120x128xf32, #tpu.memory_space<vmem>>
      tpu.enqueue_dma source(%dma_start3A_208 : memref<120x128xf32, #tpu.memory_space<vmem>>) target(%dma_start3A_204 : memref<120x128xf32, #tpu.memory_space<vmem_shared>>) target_semaphore(%run_scoped3A_196 : memref<!tpu.dma_semaphore, #tpu.memory_space<semaphore_mem>>)
      %dma_wait3A_209 = arith.constant 0 : i32
      %dma_wait3A_210 = arith.constant 0 : i32
      %dma_wait3A_211 = tpu.memref_slice %arg6[%run_scoped3A_24, %dma_wait3A_209, %dma_wait3A_210] : memref<3x128x128xf32, #tpu.memory_space<vmem>> -> memref<1x120x128xf32, #tpu.memory_space<vmem>>
      %dma_wait3A_212 = tpu.memref_squeeze %dma_wait3A_211 : memref<1x120x128xf32, #tpu.memory_space<vmem>> -> memref<120x128xf32, #tpu.memory_space<vmem>>
      %dma_wait3A_213 = arith.constant 0 : i32
      %dma_wait3A_214 = tpu.memref_slice %arg7[%add3A_23, %dma_wait3A_213] : memref<10000x128xf32, #tpu.memory_space<vmem_shared>> -> memref<120x128xf32, #tpu.memory_space<vmem_shared>>
      %dma_wait3A_215 = arith.constant 0 : i32
      %dma_wait3A_216 = tpu.memref_slice %arg7[%add3A_23, %dma_wait3A_215] : memref<10000x128xf32, #tpu.memory_space<vmem_shared>> -> memref<120x128xf32, #tpu.memory_space<vmem_shared>>
      %dma_wait3A_217 = arith.constant 0 : i32
      %dma_wait3A_218 = arith.constant 0 : i32
      %dma_wait3A_219 = tpu.memref_slice %arg6[%run_scoped3A_24, %dma_wait3A_217, %dma_wait3A_218] : memref<3x128x128xf32, #tpu.memory_space<vmem>> -> memref<1x120x128xf32, #tpu.memory_space<vmem>>
      %dma_wait3A_220 = tpu.memref_squeeze %dma_wait3A_219 : memref<1x120x128xf32, #tpu.memory_space<vmem>> -> memref<120x128xf32, #tpu.memory_space<vmem>>
      tpu.wait_dma2 semaphore(%run_scoped3A_196 : memref<!tpu.dma_semaphore, #tpu.memory_space<semaphore_mem>>) src(%dma_wait3A_220 : memref<120x128xf32, #tpu.memory_space<vmem>>) dst(%dma_wait3A_216 : memref<120x128xf32, #tpu.memory_space<vmem_shared>>)
      tpu.yield
    }) : () -> ()
    %add3A_25 = arith.constant 480 : i32
    %add3A_26 = arith.addi %mul3A_12, %add3A_25 : i32
    %run_scoped3A_27 = arith.constant 0 : i32
    "tpu.region"() ({
      %run_scoped3A_196 = tpu.sem_alloc : memref<!tpu.dma_semaphore, #tpu.memory_space<semaphore_mem>>
      %dma_start3A_197 = arith.constant 0 : i32
      %dma_start3A_198 = arith.constant 0 : i32
      %dma_start3A_199 = tpu.memref_slice %arg6[%run_scoped3A_27, %dma_start3A_197, %dma_start3A_198] : memref<3x128x128xf32, #tpu.memory_space<vmem>> -> memref<1x120x128xf32, #tpu.memory_space<vmem>>
      %dma_start3A_200 = tpu.memref_squeeze %dma_start3A_199 : memref<1x120x128xf32, #tpu.memory_space<vmem>> -> memref<120x128xf32, #tpu.memory_space<vmem>>
      %dma_start3A_201 = arith.constant 0 : i32
      %dma_start3A_202 = tpu.memref_slice %arg7[%add3A_26, %dma_start3A_201] : memref<10000x128xf32, #tpu.memory_space<vmem_shared>> -> memref<120x128xf32, #tpu.memory_space<vmem_shared>>
      %dma_start3A_203 = arith.constant 0 : i32
      %dma_start3A_204 = tpu.memref_slice %arg7[%add3A_26, %dma_start3A_203] : memref<10000x128xf32, #tpu.memory_space<vmem_shared>> -> memref<120x128xf32, #tpu.memory_space<vmem_shared>>
      %dma_start3A_205 = arith.constant 0 : i32
      %dma_start3A_206 = arith.constant 0 : i32
      %dma_start3A_207 = tpu.memref_slice %arg6[%run_scoped3A_27, %dma_start3A_205, %dma_start3A_206] : memref<3x128x128xf32, #tpu.memory_space<vmem>> -> memref<1x120x128xf32, #tpu.memory_space<vmem>>
      %dma_start3A_208 = tpu.memref_squeeze %dma_start3A_207 : memref<1x120x128xf32, #tpu.memory_space<vmem>> -> memref<120x128xf32, #tpu.memory_space<vmem>>
      tpu.enqueue_dma source(%dma_start3A_208 : memref<120x128xf32, #tpu.memory_space<vmem>>) target(%dma_start3A_204 : memref<120x128xf32, #tpu.memory_space<vmem_shared>>) target_semaphore(%run_scoped3A_196 : memref<!tpu.dma_semaphore, #tpu.memory_space<semaphore_mem>>)
      %dma_wait3A_209 = arith.constant 0 : i32
      %dma_wait3A_210 = arith.constant 0 : i32
      %dma_wait3A_211 = tpu.memref_slice %arg6[%run_scoped3A_27, %dma_wait3A_209, %dma_wait3A_210] : memref<3x128x128xf32, #tpu.memory_space<vmem>> -> memref<1x120x128xf32, #tpu.memory_space<vmem>>
      %dma_wait3A_212 = tpu.memref_squeeze %dma_wait3A_211 : memref<1x120x128xf32, #tpu.memory_space<vmem>> -> memref<120x128xf32, #tpu.memory_space<vmem>>
      %dma_wait3A_213 = arith.constant 0 : i32
      %dma_wait3A_214 = tpu.memref_slice %arg7[%add3A_26, %dma_wait3A_213] : memref<10000x128xf32, #tpu.memory_space<vmem_shared>> -> memref<120x128xf32, #tpu.memory_space<vmem_shared>>
      %dma_wait3A_215 = arith.constant 0 : i32
      %dma_wait3A_216 = tpu.memref_slice %arg7[%add3A_26, %dma_wait3A_215] : memref<10000x128xf32, #tpu.memory_space<vmem_shared>> -> memref<120x128xf32, #tpu.memory_space<vmem_shared>>
      %dma_wait3A_217 = arith.constant 0 : i32
      %dma_wait3A_218 = arith.constant 0 : i32
      %dma_wait3A_219 = tpu.memref_slice %arg6[%run_scoped3A_27, %dma_wait3A_217, %dma_wait3A_218] : memref<3x128x128xf32, #tpu.memory_space<vmem>> -> memref<1x120x128xf32, #tpu.memory_space<vmem>>
      %dma_wait3A_220 = tpu.memref_squeeze %dma_wait3A_219 : memref<1x120x128xf32, #tpu.memory_space<vmem>> -> memref<120x128xf32, #tpu.memory_space<vmem>>
      tpu.wait_dma2 semaphore(%run_scoped3A_196 : memref<!tpu.dma_semaphore, #tpu.memory_space<semaphore_mem>>) src(%dma_wait3A_220 : memref<120x128xf32, #tpu.memory_space<vmem>>) dst(%dma_wait3A_216 : memref<120x128xf32, #tpu.memory_space<vmem_shared>>)
      tpu.yield
    }) : () -> ()
    %add3A_28 = arith.constant 600 : i32
    %add3A_29 = arith.addi %mul3A_12, %add3A_28 : i32
    %run_scoped3A_30 = arith.constant 0 : i32
    "tpu.region"() ({
      %run_scoped3A_196 = tpu.sem_alloc : memref<!tpu.dma_semaphore, #tpu.memory_space<semaphore_mem>>
      %dma_start3A_197 = arith.constant 0 : i32
      %dma_start3A_198 = arith.constant 0 : i32
      %dma_start3A_199 = tpu.memref_slice %arg6[%run_scoped3A_30, %dma_start3A_197, %dma_start3A_198] : memref<3x128x128xf32, #tpu.memory_space<vmem>> -> memref<1x24x128xf32, #tpu.memory_space<vmem>>
      %dma_start3A_200 = tpu.memref_squeeze %dma_start3A_199 : memref<1x24x128xf32, #tpu.memory_space<vmem>> -> memref<24x128xf32, #tpu.memory_space<vmem>>
      %dma_start3A_201 = arith.constant 0 : i32
      %dma_start3A_202 = tpu.memref_slice %arg7[%add3A_29, %dma_start3A_201] : memref<10000x128xf32, #tpu.memory_space<vmem_shared>> -> memref<24x128xf32, #tpu.memory_space<vmem_shared>>
      %dma_start3A_203 = arith.constant 0 : i32
      %dma_start3A_204 = tpu.memref_slice %arg7[%add3A_29, %dma_start3A_203] : memref<10000x128xf32, #tpu.memory_space<vmem_shared>> -> memref<24x128xf32, #tpu.memory_space<vmem_shared>>
      %dma_start3A_205 = arith.constant 0 : i32
      %dma_start3A_206 = arith.constant 0 : i32
      %dma_start3A_207 = tpu.memref_slice %arg6[%run_scoped3A_30, %dma_start3A_205, %dma_start3A_206] : memref<3x128x128xf32, #tpu.memory_space<vmem>> -> memref<1x24x128xf32, #tpu.memory_space<vmem>>
      %dma_start3A_208 = tpu.memref_squeeze %dma_start3A_207 : memref<1x24x128xf32, #tpu.memory_space<vmem>> -> memref<24x128xf32, #tpu.memory_space<vmem>>
      tpu.enqueue_dma source(%dma_start3A_208 : memref<24x128xf32, #tpu.memory_space<vmem>>) target(%dma_start3A_204 : memref<24x128xf32, #tpu.memory_space<vmem_shared>>) target_semaphore(%run_scoped3A_196 : memref<!tpu.dma_semaphore, #tpu.memory_space<semaphore_mem>>)
      %dma_wait3A_209 = arith.constant 0 : i32
      %dma_wait3A_210 = arith.constant 0 : i32
      %dma_wait3A_211 = tpu.memref_slice %arg6[%run_scoped3A_30, %dma_wait3A_209, %dma_wait3A_210] : memref<3x128x128xf32, #tpu.memory_space<vmem>> -> memref<1x24x128xf32, #tpu.memory_space<vmem>>
      %dma_wait3A_212 = tpu.memref_squeeze %dma_wait3A_211 : memref<1x24x128xf32, #tpu.memory_space<vmem>> -> memref<24x128xf32, #tpu.memory_space<vmem>>
      %dma_wait3A_213 = arith.constant 0 : i32
      %dma_wait3A_214 = tpu.memref_slice %arg7[%add3A_29, %dma_wait3A_213] : memref<10000x128xf32, #tpu.memory_space<vmem_shared>> -> memref<24x128xf32, #tpu.memory_space<vmem_shared>>
      %dma_wait3A_215 = arith.constant 0 : i32
      %dma_wait3A_216 = tpu.memref_slice %arg7[%add3A_29, %dma_wait3A_215] : memref<10000x128xf32, #tpu.memory_space<vmem_shared>> -> memref<24x128xf32, #tpu.memory_space<vmem_shared>>
      %dma_wait3A_217 = arith.constant 0 : i32
      %dma_wait3A_218 = arith.constant 0 : i32
      %dma_wait3A_219 = tpu.memref_slice %arg6[%run_scoped3A_30, %dma_wait3A_217, %dma_wait3A_218] : memref<3x128x128xf32, #tpu.memory_space<vmem>> -> memref<1x24x128xf32, #tpu.memory_space<vmem>>
      %dma_wait3A_220 = tpu.memref_squeeze %dma_wait3A_219 : memref<1x24x128xf32, #tpu.memory_space<vmem>> -> memref<24x128xf32, #tpu.memory_space<vmem>>
      tpu.wait_dma2 semaphore(%run_scoped3A_196 : memref<!tpu.dma_semaphore, #tpu.memory_space<semaphore_mem>>) src(%dma_wait3A_220 : memref<24x128xf32, #tpu.memory_space<vmem>>) dst(%dma_wait3A_216 : memref<24x128xf32, #tpu.memory_space<vmem_shared>>)
      tpu.yield
    }) : () -> ()
    %convert_element_type3A = arith.extui %lt3A_13 : i1 to i32
    %cond3A = arith.constant 0 : i32
    %cond3A_31 = arith.cmpi ne, %convert_element_type3A, %cond3A : i32
    scf.if %cond3A_31 {
      %add3A_196 = arith.constant 624 : i32
      %add3A_197 = arith.addi %mul3A_12, %add3A_196 : i32
      %run_scoped3A_198 = arith.constant 0 : i32
      "tpu.region"() ({
        %run_scoped3A_199 = tpu.sem_alloc : memref<!tpu.dma_semaphore, #tpu.memory_space<semaphore_mem>>
        %dma_start3A_200 = arith.constant 0 : i32
        %dma_start3A_201 = arith.constant 0 : i32
        %dma_start3A_202 = tpu.memref_slice %arg6[%run_scoped3A_198, %dma_start3A_200, %dma_start3A_201] : memref<3x128x128xf32, #tpu.memory_space<vmem>> -> memref<1x8x128xf32, #tpu.memory_space<vmem>>
        %dma_start3A_203 = tpu.memref_squeeze %dma_start3A_202 : memref<1x8x128xf32, #tpu.memory_space<vmem>> -> memref<8x128xf32, #tpu.memory_space<vmem>>
        %dma_start3A_204 = arith.constant 0 : i32
        %dma_start3A_205 = tpu.memref_slice %arg7[%add3A_197, %dma_start3A_204] : memref<10000x128xf32, #tpu.memory_space<vmem_shared>> -> memref<8x128xf32, #tpu.memory_space<vmem_shared>>
        %dma_start3A_206 = arith.constant 0 : i32
        %dma_start3A_207 = tpu.memref_slice %arg7[%add3A_197, %dma_start3A_206] : memref<10000x128xf32, #tpu.memory_space<vmem_shared>> -> memref<8x128xf32, #tpu.memory_space<vmem_shared>>
        %dma_start3A_208 = arith.constant 0 : i32
        %dma_start3A_209 = arith.constant 0 : i32
        %dma_start3A_210 = tpu.memref_slice %arg6[%run_scoped3A_198, %dma_start3A_208, %dma_start3A_209] : memref<3x128x128xf32, #tpu.memory_space<vmem>> -> memref<1x8x128xf32, #tpu.memory_space<vmem>>
        %dma_start3A_211 = tpu.memref_squeeze %dma_start3A_210 : memref<1x8x128xf32, #tpu.memory_space<vmem>> -> memref<8x128xf32, #tpu.memory_space<vmem>>
        tpu.enqueue_dma source(%dma_start3A_211 : memref<8x128xf32, #tpu.memory_space<vmem>>) target(%dma_start3A_207 : memref<8x128xf32, #tpu.memory_space<vmem_shared>>) target_semaphore(%run_scoped3A_199 : memref<!tpu.dma_semaphore, #tpu.memory_space<semaphore_mem>>)
        %dma_wait3A_212 = arith.constant 0 : i32
        %dma_wait3A_213 = arith.constant 0 : i32
        %dma_wait3A_214 = tpu.memref_slice %arg6[%run_scoped3A_198, %dma_wait3A_212, %dma_wait3A_213] : memref<3x128x128xf32, #tpu.memory_space<vmem>> -> memref<1x8x128xf32, #tpu.memory_space<vmem>>
        %dma_wait3A_215 = tpu.memref_squeeze %dma_wait3A_214 : memref<1x8x128xf32, #tpu.memory_space<vmem>> -> memref<8x128xf32, #tpu.memory_space<vmem>>
        %dma_wait3A_216 = arith.constant 0 : i32
        %dma_wait3A_217 = tpu.memref_slice %arg7[%add3A_197, %dma_wait3A_216] : memref<10000x128xf32, #tpu.memory_space<vmem_shared>> -> memref<8x128xf32, #tpu.memory_space<vmem_shared>>
        %dma_wait3A_218 = arith.constant 0 : i32
        %dma_wait3A_219 = tpu.memref_slice %arg7[%add3A_197, %dma_wait3A_218] : memref<10000x128xf32, #tpu.memory_space<vmem_shared>> -> memref<8x128xf32, #tpu.memory_space<vmem_shared>>
        %dma_wait3A_220 = arith.constant 0 : i32
        %dma_wait3A_221 = arith.constant 0 : i32
        %dma_wait3A_222 = tpu.memref_slice %arg6[%run_scoped3A_198, %dma_wait3A_220, %dma_wait3A_221] : memref<3x128x128xf32, #tpu.memory_space<vmem>> -> memref<1x8x128xf32, #tpu.memory_space<vmem>>
        %dma_wait3A_223 = tpu.memref_squeeze %dma_wait3A_222 : memref<1x8x128xf32, #tpu.memory_space<vmem>> -> memref<8x128xf32, #tpu.memory_space<vmem>>
        tpu.wait_dma2 semaphore(%run_scoped3A_199 : memref<!tpu.dma_semaphore, #tpu.memory_space<semaphore_mem>>) src(%dma_wait3A_223 : memref<8x128xf32, #tpu.memory_space<vmem>>) dst(%dma_wait3A_219 : memref<8x128xf32, #tpu.memory_space<vmem_shared>>)
        tpu.yield
      }) : () -> ()
    } else {
    }
    %barrier3A = arith.constant 0 : index
    tpu.barrier barrier_id(%barrier3A)
    %mul3A_32 = arith.constant 78 : i32
    %mul3A_33 = arith.muli %add3A, %mul3A_32 : i32
    %min3A_34 = arith.constant 4 : i32
    %min3A_35 = arith.minsi %add3A, %min3A_34 : i32
    %add3A_36 = arith.addi %mul3A_33, %min3A_35 : i32
    %lt3A_37 = arith.constant 4 : i32
    %lt3A_38 = arith.cmpi slt, %add3A, %lt3A_37 : i32
    %jit3A = arith.constant 1 : i32
    %jit3A_39 = arith.constant 0 : i32
    %select_n3A = arith.select %lt3A_38, %jit3A, %jit3A_39 : i32
    %add3A_40 = arith.constant 78 : i32
    %add3A_41 = arith.addi %add3A_40, %select_n3A : i32
    %add3A_42 = arith.constant 0 : i32
    %add3A_43 = arith.addi %add3A_36, %add3A_42 : i32
    %mul3A_44 = arith.constant 128 : i32
    %mul3A_45 = arith.muli %add3A_43, %mul3A_44 : i32
    %dma_start3A = arith.constant 0 : i32
    %dma_start3A_46 = arith.constant 0 : i32
    %dma_start3A_47 = arith.constant 0 : i32
    %dma_start3A_48 = tpu.memref_slice %arg5[%dma_start3A, %dma_start3A_46, %dma_start3A_47] : memref<6x2x128xi32, #tpu.memory_space<vmem>> -> memref<1x2x128xi32, #tpu.memory_space<vmem>>
    %dma_start3A_49 = tpu.memref_squeeze %dma_start3A_48 : memref<1x2x128xi32, #tpu.memory_space<vmem>> -> memref<2x128xi32, #tpu.memory_space<vmem>>
    %dma_start3A_50 = arith.constant 0 : i32
    %dma_start3A_51 = tpu.memref_slice %arg3[%dma_start3A_50, %mul3A_45] : memref<2x320000xi32, #tpu.memory_space<hbm>> -> memref<2x128xi32, #tpu.memory_space<hbm>>
    %dma_start3A_52 = arith.constant 0 : i32
    %dma_start3A_53 = arith.constant 0 : i32
    %dma_start3A_54 = tpu.memref_slice %arg5[%dma_start3A, %dma_start3A_52, %dma_start3A_53] : memref<6x2x128xi32, #tpu.memory_space<vmem>> -> memref<1x2x128xi32, #tpu.memory_space<vmem>>
    %dma_start3A_55 = tpu.memref_squeeze %dma_start3A_54 : memref<1x2x128xi32, #tpu.memory_space<vmem>> -> memref<2x128xi32, #tpu.memory_space<vmem>>
    %dma_start3A_56 = arith.constant 0 : i32
    %dma_start3A_57 = tpu.memref_slice %arg3[%dma_start3A_56, %mul3A_45] : memref<2x320000xi32, #tpu.memory_space<hbm>> -> memref<2x128xi32, #tpu.memory_space<hbm>>
    tpu.enqueue_dma source(%dma_start3A_57 : memref<2x128xi32, #tpu.memory_space<hbm>>) target(%dma_start3A_55 : memref<2x128xi32, #tpu.memory_space<vmem>>) target_semaphore(%arg14 : memref<!tpu.dma_semaphore, #tpu.memory_space<semaphore_mem>>)
    %add3A_58 = arith.constant 1 : i32
    %add3A_59 = arith.addi %add3A_36, %add3A_58 : i32
    %mul3A_60 = arith.constant 128 : i32
    %mul3A_61 = arith.muli %add3A_59, %mul3A_60 : i32
    %dma_start3A_62 = arith.constant 1 : i32
    %dma_start3A_63 = arith.constant 0 : i32
    %dma_start3A_64 = arith.constant 0 : i32
    %dma_start3A_65 = tpu.memref_slice %arg5[%dma_start3A_62, %dma_start3A_63, %dma_start3A_64] : memref<6x2x128xi32, #tpu.memory_space<vmem>> -> memref<1x2x128xi32, #tpu.memory_space<vmem>>
    %dma_start3A_66 = tpu.memref_squeeze %dma_start3A_65 : memref<1x2x128xi32, #tpu.memory_space<vmem>> -> memref<2x128xi32, #tpu.memory_space<vmem>>
    %dma_start3A_67 = arith.constant 0 : i32
    %dma_start3A_68 = tpu.memref_slice %arg3[%dma_start3A_67, %mul3A_61] : memref<2x320000xi32, #tpu.memory_space<hbm>> -> memref<2x128xi32, #tpu.memory_space<hbm>>
    %dma_start3A_69 = arith.constant 0 : i32
    %dma_start3A_70 = arith.constant 0 : i32
    %dma_start3A_71 = tpu.memref_slice %arg5[%dma_start3A_62, %dma_start3A_69, %dma_start3A_70] : memref<6x2x128xi32, #tpu.memory_space<vmem>> -> memref<1x2x128xi32, #tpu.memory_space<vmem>>
    %dma_start3A_72 = tpu.memref_squeeze %dma_start3A_71 : memref<1x2x128xi32, #tpu.memory_space<vmem>> -> memref<2x128xi32, #tpu.memory_space<vmem>>
    %dma_start3A_73 = arith.constant 0 : i32
    %dma_start3A_74 = tpu.memref_slice %arg3[%dma_start3A_73, %mul3A_61] : memref<2x320000xi32, #tpu.memory_space<hbm>> -> memref<2x128xi32, #tpu.memory_space<hbm>>
    tpu.enqueue_dma source(%dma_start3A_74 : memref<2x128xi32, #tpu.memory_space<hbm>>) target(%dma_start3A_72 : memref<2x128xi32, #tpu.memory_space<vmem>>) target_semaphore(%arg15 : memref<!tpu.dma_semaphore, #tpu.memory_space<semaphore_mem>>)
    %add3A_75 = arith.constant 2 : i32
    %add3A_76 = arith.addi %add3A_36, %add3A_75 : i32
    %mul3A_77 = arith.constant 128 : i32
    %mul3A_78 = arith.muli %add3A_76, %mul3A_77 : i32
    %dma_start3A_79 = arith.constant 2 : i32
    %dma_start3A_80 = arith.constant 0 : i32
    %dma_start3A_81 = arith.constant 0 : i32
    %dma_start3A_82 = tpu.memref_slice %arg5[%dma_start3A_79, %dma_start3A_80, %dma_start3A_81] : memref<6x2x128xi32, #tpu.memory_space<vmem>> -> memref<1x2x128xi32, #tpu.memory_space<vmem>>
    %dma_start3A_83 = tpu.memref_squeeze %dma_start3A_82 : memref<1x2x128xi32, #tpu.memory_space<vmem>> -> memref<2x128xi32, #tpu.memory_space<vmem>>
    %dma_start3A_84 = arith.constant 0 : i32
    %dma_start3A_85 = tpu.memref_slice %arg3[%dma_start3A_84, %mul3A_78] : memref<2x320000xi32, #tpu.memory_space<hbm>> -> memref<2x128xi32, #tpu.memory_space<hbm>>
    %dma_start3A_86 = arith.constant 0 : i32
    %dma_start3A_87 = arith.constant 0 : i32
    %dma_start3A_88 = tpu.memref_slice %arg5[%dma_start3A_79, %dma_start3A_86, %dma_start3A_87] : memref<6x2x128xi32, #tpu.memory_space<vmem>> -> memref<1x2x128xi32, #tpu.memory_space<vmem>>
    %dma_start3A_89 = tpu.memref_squeeze %dma_start3A_88 : memref<1x2x128xi32, #tpu.memory_space<vmem>> -> memref<2x128xi32, #tpu.memory_space<vmem>>
    %dma_start3A_90 = arith.constant 0 : i32
    %dma_start3A_91 = tpu.memref_slice %arg3[%dma_start3A_90, %mul3A_78] : memref<2x320000xi32, #tpu.memory_space<hbm>> -> memref<2x128xi32, #tpu.memory_space<hbm>>
    tpu.enqueue_dma source(%dma_start3A_91 : memref<2x128xi32, #tpu.memory_space<hbm>>) target(%dma_start3A_89 : memref<2x128xi32, #tpu.memory_space<vmem>>) target_semaphore(%arg16 : memref<!tpu.dma_semaphore, #tpu.memory_space<semaphore_mem>>)
    %add3A_92 = arith.constant 3 : i32
    %add3A_93 = arith.addi %add3A_36, %add3A_92 : i32
    %mul3A_94 = arith.constant 128 : i32
    %mul3A_95 = arith.muli %add3A_93, %mul3A_94 : i32
    %dma_start3A_96 = arith.constant 3 : i32
    %dma_start3A_97 = arith.constant 0 : i32
    %dma_start3A_98 = arith.constant 0 : i32
    %dma_start3A_99 = tpu.memref_slice %arg5[%dma_start3A_96, %dma_start3A_97, %dma_start3A_98] : memref<6x2x128xi32, #tpu.memory_space<vmem>> -> memref<1x2x128xi32, #tpu.memory_space<vmem>>
    %dma_start3A_100 = tpu.memref_squeeze %dma_start3A_99 : memref<1x2x128xi32, #tpu.memory_space<vmem>> -> memref<2x128xi32, #tpu.memory_space<vmem>>
    %dma_start3A_101 = arith.constant 0 : i32
    %dma_start3A_102 = tpu.memref_slice %arg3[%dma_start3A_101, %mul3A_95] : memref<2x320000xi32, #tpu.memory_space<hbm>> -> memref<2x128xi32, #tpu.memory_space<hbm>>
    %dma_start3A_103 = arith.constant 0 : i32
    %dma_start3A_104 = arith.constant 0 : i32
    %dma_start3A_105 = tpu.memref_slice %arg5[%dma_start3A_96, %dma_start3A_103, %dma_start3A_104] : memref<6x2x128xi32, #tpu.memory_space<vmem>> -> memref<1x2x128xi32, #tpu.memory_space<vmem>>
    %dma_start3A_106 = tpu.memref_squeeze %dma_start3A_105 : memref<1x2x128xi32, #tpu.memory_space<vmem>> -> memref<2x128xi32, #tpu.memory_space<vmem>>
    %dma_start3A_107 = arith.constant 0 : i32
    %dma_start3A_108 = tpu.memref_slice %arg3[%dma_start3A_107, %mul3A_95] : memref<2x320000xi32, #tpu.memory_space<hbm>> -> memref<2x128xi32, #tpu.memory_space<hbm>>
    tpu.enqueue_dma source(%dma_start3A_108 : memref<2x128xi32, #tpu.memory_space<hbm>>) target(%dma_start3A_106 : memref<2x128xi32, #tpu.memory_space<vmem>>) target_semaphore(%arg17 : memref<!tpu.dma_semaphore, #tpu.memory_space<semaphore_mem>>)
    %dma_wait3A = arith.constant 0 : i32
    %dma_wait3A_109 = arith.constant 0 : i32
    %dma_wait3A_110 = arith.constant 0 : i32
    %dma_wait3A_111 = tpu.memref_slice %arg5[%dma_wait3A, %dma_wait3A_109, %dma_wait3A_110] : memref<6x2x128xi32, #tpu.memory_space<vmem>> -> memref<1x2x128xi32, #tpu.memory_space<vmem>>
    %dma_wait3A_112 = tpu.memref_squeeze %dma_wait3A_111 : memref<1x2x128xi32, #tpu.memory_space<vmem>> -> memref<2x128xi32, #tpu.memory_space<vmem>>
    %dma_wait3A_113 = arith.constant 0 : i32
    %dma_wait3A_114 = arith.constant 0 : i32
    %dma_wait3A_115 = tpu.memref_slice %arg3[%dma_wait3A_113, %dma_wait3A_114] : memref<2x320000xi32, #tpu.memory_space<hbm>> -> memref<2x128xi32, #tpu.memory_space<hbm>>
    %dma_wait3A_116 = arith.constant 0 : i32
    %dma_wait3A_117 = arith.constant 0 : i32
    %dma_wait3A_118 = tpu.memref_slice %arg5[%dma_wait3A, %dma_wait3A_116, %dma_wait3A_117] : memref<6x2x128xi32, #tpu.memory_space<vmem>> -> memref<1x2x128xi32, #tpu.memory_space<vmem>>
    %dma_wait3A_119 = tpu.memref_squeeze %dma_wait3A_118 : memref<1x2x128xi32, #tpu.memory_space<vmem>> -> memref<2x128xi32, #tpu.memory_space<vmem>>
    %dma_wait3A_120 = arith.constant 0 : i32
    %dma_wait3A_121 = arith.constant 0 : i32
    %dma_wait3A_122 = tpu.memref_slice %arg3[%dma_wait3A_120, %dma_wait3A_121] : memref<2x320000xi32, #tpu.memory_space<hbm>> -> memref<2x128xi32, #tpu.memory_space<hbm>>
    tpu.wait_dma2 semaphore(%arg14 : memref<!tpu.dma_semaphore, #tpu.memory_space<semaphore_mem>>) src(%dma_wait3A_122 : memref<2x128xi32, #tpu.memory_space<hbm>>) dst(%dma_wait3A_119 : memref<2x128xi32, #tpu.memory_space<vmem>>)
    %dma_start3A_123 = arith.constant 0 : i32
    %dma_start3A_124 = arith.constant 1 : i32
    %dma_start3A_125 = arith.constant 0 : i32
    %dma_start3A_126 = arith.constant 0 : i32
    %dma_start3A_127 = arith.constant 0 : i32
    %dma_start3A_128 = tpu.memref_slice %arg6[%dma_start3A_125, %dma_start3A_126, %dma_start3A_127] : memref<3x128x128xf32, #tpu.memory_space<vmem>> -> memref<1x128x128xf32, #tpu.memory_space<vmem>>
    %dma_start3A_129 = tpu.memref_squeeze %dma_start3A_128 : memref<1x128x128xf32, #tpu.memory_space<vmem>> -> memref<128x128xf32, #tpu.memory_space<vmem>>
    %dma_start3A_130 = arith.constant 0 : i32
    %dma_start3A_131 = tpu.memref_slice %arg5[%dma_start3A_123, %dma_start3A_124, %dma_start3A_130] : memref<6x2x128xi32, #tpu.memory_space<vmem>> -> memref<1x1x128xi32, #tpu.memory_space<vmem>>
    %dma_start3A_132 = tpu.memref_squeeze %dma_start3A_131 : memref<1x1x128xi32, #tpu.memory_space<vmem>> -> memref<128xi32, #tpu.memory_space<vmem>>
    %dma_start3A_133 = arith.constant 0 : i32
    %dma_start3A_134 = arith.constant 0 : i32
    %dma_start3A_135 = tpu.memref_slice %arg2[%dma_start3A_133, %dma_start3A_134] : memref<10000x128xf32, #tpu.memory_space<hbm>> -> memref<10000x128xf32, #tpu.memory_space<hbm>>
    tpu.enqueue_indirect_dma source(%dma_start3A_135 : memref<10000x128xf32, #tpu.memory_space<hbm>>) target(%dma_start3A_129 : memref<128x128xf32, #tpu.memory_space<vmem>>) offsets(%dma_start3A_132 : memref<128xi32, #tpu.memory_space<vmem>>) semaphore(%arg8 : memref<!tpu.dma_semaphore, #tpu.memory_space<semaphore_mem>>)
    %dma_wait3A_136 = arith.constant 1 : i32
    %dma_wait3A_137 = arith.constant 0 : i32
    %dma_wait3A_138 = arith.constant 0 : i32
    %dma_wait3A_139 = tpu.memref_slice %arg5[%dma_wait3A_136, %dma_wait3A_137, %dma_wait3A_138] : memref<6x2x128xi32, #tpu.memory_space<vmem>> -> memref<1x2x128xi32, #tpu.memory_space<vmem>>
    %dma_wait3A_140 = tpu.memref_squeeze %dma_wait3A_139 : memref<1x2x128xi32, #tpu.memory_space<vmem>> -> memref<2x128xi32, #tpu.memory_space<vmem>>
    %dma_wait3A_141 = arith.constant 0 : i32
    %dma_wait3A_142 = arith.constant 0 : i32
    %dma_wait3A_143 = tpu.memref_slice %arg3[%dma_wait3A_141, %dma_wait3A_142] : memref<2x320000xi32, #tpu.memory_space<hbm>> -> memref<2x128xi32, #tpu.memory_space<hbm>>
    %dma_wait3A_144 = arith.constant 0 : i32
    %dma_wait3A_145 = arith.constant 0 : i32
    %dma_wait3A_146 = tpu.memref_slice %arg5[%dma_wait3A_136, %dma_wait3A_144, %dma_wait3A_145] : memref<6x2x128xi32, #tpu.memory_space<vmem>> -> memref<1x2x128xi32, #tpu.memory_space<vmem>>
    %dma_wait3A_147 = tpu.memref_squeeze %dma_wait3A_146 : memref<1x2x128xi32, #tpu.memory_space<vmem>> -> memref<2x128xi32, #tpu.memory_space<vmem>>
    %dma_wait3A_148 = arith.constant 0 : i32
    %dma_wait3A_149 = arith.constant 0 : i32
    %dma_wait3A_150 = tpu.memref_slice %arg3[%dma_wait3A_148, %dma_wait3A_149] : memref<2x320000xi32, #tpu.memory_space<hbm>> -> memref<2x128xi32, #tpu.memory_space<hbm>>
    tpu.wait_dma2 semaphore(%arg15 : memref<!tpu.dma_semaphore, #tpu.memory_space<semaphore_mem>>) src(%dma_wait3A_150 : memref<2x128xi32, #tpu.memory_space<hbm>>) dst(%dma_wait3A_147 : memref<2x128xi32, #tpu.memory_space<vmem>>)
    %dma_start3A_151 = arith.constant 1 : i32
    %dma_start3A_152 = arith.constant 1 : i32
    %dma_start3A_153 = arith.constant 1 : i32
    %dma_start3A_154 = arith.constant 0 : i32
    %dma_start3A_155 = arith.constant 0 : i32
    %dma_start3A_156 = tpu.memref_slice %arg6[%dma_start3A_153, %dma_start3A_154, %dma_start3A_155] : memref<3x128x128xf32, #tpu.memory_space<vmem>> -> memref<1x128x128xf32, #tpu.memory_space<vmem>>
    %dma_start3A_157 = tpu.memref_squeeze %dma_start3A_156 : memref<1x128x128xf32, #tpu.memory_space<vmem>> -> memref<128x128xf32, #tpu.memory_space<vmem>>
    %dma_start3A_158 = arith.constant 0 : i32
    %dma_start3A_159 = tpu.memref_slice %arg5[%dma_start3A_151, %dma_start3A_152, %dma_start3A_158] : memref<6x2x128xi32, #tpu.memory_space<vmem>> -> memref<1x1x128xi32, #tpu.memory_space<vmem>>
    %dma_start3A_160 = tpu.memref_squeeze %dma_start3A_159 : memref<1x1x128xi32, #tpu.memory_space<vmem>> -> memref<128xi32, #tpu.memory_space<vmem>>
    %dma_start3A_161 = arith.constant 0 : i32
    %dma_start3A_162 = arith.constant 0 : i32
    %dma_start3A_163 = tpu.memref_slice %arg2[%dma_start3A_161, %dma_start3A_162] : memref<10000x128xf32, #tpu.memory_space<hbm>> -> memref<10000x128xf32, #tpu.memory_space<hbm>>
    tpu.enqueue_indirect_dma source(%dma_start3A_163 : memref<10000x128xf32, #tpu.memory_space<hbm>>) target(%dma_start3A_157 : memref<128x128xf32, #tpu.memory_space<vmem>>) offsets(%dma_start3A_160 : memref<128xi32, #tpu.memory_space<vmem>>) semaphore(%arg9 : memref<!tpu.dma_semaphore, #tpu.memory_space<semaphore_mem>>)
    %scan3A_164 = arith.constant 0 : i32
    %scan3A_165 = arith.constant 0 : i32
    %scan3A_166 = arith.constant 13 : i32
    %scan3A_167 = arith.addi %scan3A_165, %scan3A_166 : i32
    %scan3A_168 = arith.constant 1 : i32
    scf.for %scan3A_196 = %scan3A_165 to %scan3A_167 step %scan3A_168  : i32 {
      %mul3A_197 = arith.constant 6 : i32
      %mul3A_198 = arith.muli %scan3A_196, %mul3A_197 : i32
      %add3A_199 = arith.constant 0 : i32
      %add3A_200 = arith.addi %mul3A_198, %add3A_199 : i32
      %dma_wait3A_201 = arith.constant 0 : i32
      %dma_wait3A_202 = arith.constant 0 : i32
      %dma_wait3A_203 = arith.constant 0 : i32
      %dma_wait3A_204 = tpu.memref_slice %arg6[%dma_wait3A_201, %dma_wait3A_202, %dma_wait3A_203] : memref<3x128x128xf32, #tpu.memory_space<vmem>> -> memref<1x128x128xf32, #tpu.memory_space<vmem>>
      %dma_wait3A_205 = tpu.memref_squeeze %dma_wait3A_204 : memref<1x128x128xf32, #tpu.memory_space<vmem>> -> memref<128x128xf32, #tpu.memory_space<vmem>>
      %dma_wait3A_206 = arith.constant 0 : i32
      %dma_wait3A_207 = arith.constant 0 : i32
      %dma_wait3A_208 = tpu.memref_slice %arg2[%dma_wait3A_206, %dma_wait3A_207] : memref<10000x128xf32, #tpu.memory_space<hbm>> -> memref<128x128xf32, #tpu.memory_space<hbm>>
      %dma_wait3A_209 = arith.constant 0 : i32
      %dma_wait3A_210 = arith.constant 0 : i32
      %dma_wait3A_211 = tpu.memref_slice %arg6[%dma_wait3A_201, %dma_wait3A_209, %dma_wait3A_210] : memref<3x128x128xf32, #tpu.memory_space<vmem>> -> memref<1x128x128xf32, #tpu.memory_space<vmem>>
      %dma_wait3A_212 = tpu.memref_squeeze %dma_wait3A_211 : memref<1x128x128xf32, #tpu.memory_space<vmem>> -> memref<128x128xf32, #tpu.memory_space<vmem>>
      %dma_wait3A_213 = arith.constant 0 : i32
      %dma_wait3A_214 = arith.constant 0 : i32
      %dma_wait3A_215 = tpu.memref_slice %arg2[%dma_wait3A_213, %dma_wait3A_214] : memref<10000x128xf32, #tpu.memory_space<hbm>> -> memref<128x128xf32, #tpu.memory_space<hbm>>
      tpu.wait_dma2 semaphore(%arg8 : memref<!tpu.dma_semaphore, #tpu.memory_space<semaphore_mem>>) src(%dma_wait3A_215 : memref<128x128xf32, #tpu.memory_space<hbm>>) dst(%dma_wait3A_212 : memref<128x128xf32, #tpu.memory_space<vmem>>)
      %dma_start3A_216 = arith.constant 0 : i32
      %dma_start3A_217 = arith.constant 0 : i32
      %dma_start3A_218 = arith.constant 0 : i32
      %dma_start3A_219 = arith.constant 0 : i32
      %dma_start3A_220 = arith.constant 0 : i32
      %dma_start3A_221 = tpu.memref_slice %arg6[%dma_start3A_216, %dma_start3A_219, %dma_start3A_220] : memref<3x128x128xf32, #tpu.memory_space<vmem>> -> memref<1x128x128xf32, #tpu.memory_space<vmem>>
      %dma_start3A_222 = tpu.memref_squeeze %dma_start3A_221 : memref<1x128x128xf32, #tpu.memory_space<vmem>> -> memref<128x128xf32, #tpu.memory_space<vmem>>
      %dma_start3A_223 = arith.constant 0 : i32
      %dma_start3A_224 = tpu.memref_slice %arg5[%dma_start3A_217, %dma_start3A_218, %dma_start3A_223] : memref<6x2x128xi32, #tpu.memory_space<vmem>> -> memref<1x1x128xi32, #tpu.memory_space<vmem>>
      %dma_start3A_225 = tpu.memref_squeeze %dma_start3A_224 : memref<1x1x128xi32, #tpu.memory_space<vmem>> -> memref<128xi32, #tpu.memory_space<vmem>>
      %dma_start3A_226 = arith.constant 0 : i32
      %dma_start3A_227 = arith.constant 0 : i32
      %dma_start3A_228 = tpu.memref_slice %arg7[%dma_start3A_226, %dma_start3A_227] : memref<10000x128xf32, #tpu.memory_space<vmem_shared>> -> memref<10000x128xf32, #tpu.memory_space<vmem_shared>>
      tpu.enqueue_indirect_dma source(%dma_start3A_222 : memref<128x128xf32, #tpu.memory_space<vmem>>) target(%dma_start3A_228 : memref<10000x128xf32, #tpu.memory_space<vmem_shared>>) offsets(%dma_start3A_225 : memref<128xi32, #tpu.memory_space<vmem>>) semaphore(%arg11 : memref<!tpu.dma_semaphore, #tpu.memory_space<semaphore_mem>>) {add = true}
      %gt3A_229 = arith.constant 0 : i32
      %gt3A_230 = arith.cmpi sgt, %add3A_200, %gt3A_229 : i32
      %convert_element_type3A_231 = arith.extui %gt3A_230 : i1 to i32
      %cond3A_232 = arith.constant 0 : i32
      %cond3A_233 = arith.cmpi ne, %convert_element_type3A_231, %cond3A_232 : i32
      scf.if %cond3A_233 {
        %dma_wait3A_531 = arith.constant 2 : i32
        %dma_wait3A_532 = arith.constant 0 : i32
        %dma_wait3A_533 = arith.constant 0 : i32
        %dma_wait3A_534 = arith.constant 0 : i32
        %dma_wait3A_535 = arith.constant 0 : i32
        %dma_wait3A_536 = tpu.memref_slice %arg6[%dma_wait3A_531, %dma_wait3A_534, %dma_wait3A_535] : memref<3x128x128xf32, #tpu.memory_space<vmem>> -> memref<1x128x128xf32, #tpu.memory_space<vmem>>
        %dma_wait3A_537 = tpu.memref_squeeze %dma_wait3A_536 : memref<1x128x128xf32, #tpu.memory_space<vmem>> -> memref<128x128xf32, #tpu.memory_space<vmem>>
        %dma_wait3A_538 = arith.constant 0 : i32
        %dma_wait3A_539 = tpu.memref_slice %arg5[%dma_wait3A_532, %dma_wait3A_533, %dma_wait3A_538] : memref<6x2x128xi32, #tpu.memory_space<vmem>> -> memref<1x1x128xi32, #tpu.memory_space<vmem>>
        %dma_wait3A_540 = tpu.memref_squeeze %dma_wait3A_539 : memref<1x1x128xi32, #tpu.memory_space<vmem>> -> memref<128xi32, #tpu.memory_space<vmem>>
        %dma_wait3A_541 = arith.constant 0 : i32
        %dma_wait3A_542 = arith.constant 0 : i32
        %dma_wait3A_543 = tpu.memref_slice %arg7[%dma_wait3A_541, %dma_wait3A_542] : memref<10000x128xf32, #tpu.memory_space<vmem_shared>> -> memref<10000x128xf32, #tpu.memory_space<vmem_shared>>
        tpu.wait_indirect_dma semaphore(%arg13 : memref<!tpu.dma_semaphore, #tpu.memory_space<semaphore_mem>>) src(%dma_wait3A_537 : memref<128x128xf32, #tpu.memory_space<vmem>>) dst(%dma_wait3A_543 : memref<10000x128xf32, #tpu.memory_space<vmem_shared>>)
      } else {
      }
      %add3A_234 = arith.constant 4 : i32
      %add3A_235 = arith.addi %add3A_200, %add3A_234 : i32
      %lt3A_236 = arith.cmpi slt, %add3A_235, %add3A_41 : i32
      %convert_element_type3A_237 = arith.extui %lt3A_236 : i1 to i32
      %cond3A_238 = arith.constant 0 : i32
      %cond3A_239 = arith.cmpi ne, %convert_element_type3A_237, %cond3A_238 : i32
      scf.if %cond3A_239 {
        %add3A_531 = arith.constant 4 : i32
        %add3A_532 = arith.addi %add3A_200, %add3A_531 : i32
        %add3A_533 = arith.addi %add3A_36, %add3A_532 : i32
        %mul3A_534 = arith.constant 128 : i32
        %mul3A_535 = arith.muli %add3A_533, %mul3A_534 : i32
        %dma_start3A_536 = arith.constant 4 : i32
        %dma_start3A_537 = arith.constant 0 : i32
        %dma_start3A_538 = arith.constant 0 : i32
        %dma_start3A_539 = tpu.memref_slice %arg5[%dma_start3A_536, %dma_start3A_537, %dma_start3A_538] : memref<6x2x128xi32, #tpu.memory_space<vmem>> -> memref<1x2x128xi32, #tpu.memory_space<vmem>>
        %dma_start3A_540 = tpu.memref_squeeze %dma_start3A_539 : memref<1x2x128xi32, #tpu.memory_space<vmem>> -> memref<2x128xi32, #tpu.memory_space<vmem>>
        %dma_start3A_541 = arith.constant 0 : i32
        %dma_start3A_542 = tpu.memref_slice %arg3[%dma_start3A_541, %mul3A_535] : memref<2x320000xi32, #tpu.memory_space<hbm>> -> memref<2x128xi32, #tpu.memory_space<hbm>>
        %dma_start3A_543 = arith.constant 0 : i32
        %dma_start3A_544 = arith.constant 0 : i32
        %dma_start3A_545 = tpu.memref_slice %arg5[%dma_start3A_536, %dma_start3A_543, %dma_start3A_544] : memref<6x2x128xi32, #tpu.memory_space<vmem>> -> memref<1x2x128xi32, #tpu.memory_space<vmem>>
        %dma_start3A_546 = tpu.memref_squeeze %dma_start3A_545 : memref<1x2x128xi32, #tpu.memory_space<vmem>> -> memref<2x128xi32, #tpu.memory_space<vmem>>
        %dma_start3A_547 = arith.constant 0 : i32
        %dma_start3A_548 = tpu.memref_slice %arg3[%dma_start3A_547, %mul3A_535] : memref<2x320000xi32, #tpu.memory_space<hbm>> -> memref<2x128xi32, #tpu.memory_space<hbm>>
        tpu.enqueue_dma source(%dma_start3A_548 : memref<2x128xi32, #tpu.memory_space<hbm>>) target(%dma_start3A_546 : memref<2x128xi32, #tpu.memory_space<vmem>>) target_semaphore(%arg18 : memref<!tpu.dma_semaphore, #tpu.memory_space<semaphore_mem>>)
      } else {
      }
      %add3A_240 = arith.constant 2 : i32
      %add3A_241 = arith.addi %add3A_200, %add3A_240 : i32
      %lt3A_242 = arith.cmpi slt, %add3A_241, %add3A_41 : i32
      %convert_element_type3A_243 = arith.extui %lt3A_242 : i1 to i32
      %cond3A_244 = arith.constant 0 : i32
      %cond3A_245 = arith.cmpi ne, %convert_element_type3A_243, %cond3A_244 : i32
      scf.if %cond3A_245 {
        %dma_wait3A_531 = arith.constant 2 : i32
        %dma_wait3A_532 = arith.constant 0 : i32
        %dma_wait3A_533 = arith.constant 0 : i32
        %dma_wait3A_534 = tpu.memref_slice %arg5[%dma_wait3A_531, %dma_wait3A_532, %dma_wait3A_533] : memref<6x2x128xi32, #tpu.memory_space<vmem>> -> memref<1x2x128xi32, #tpu.memory_space<vmem>>
        %dma_wait3A_535 = tpu.memref_squeeze %dma_wait3A_534 : memref<1x2x128xi32, #tpu.memory_space<vmem>> -> memref<2x128xi32, #tpu.memory_space<vmem>>
        %dma_wait3A_536 = arith.constant 0 : i32
        %dma_wait3A_537 = arith.constant 0 : i32
        %dma_wait3A_538 = tpu.memref_slice %arg3[%dma_wait3A_536, %dma_wait3A_537] : memref<2x320000xi32, #tpu.memory_space<hbm>> -> memref<2x128xi32, #tpu.memory_space<hbm>>
        %dma_wait3A_539 = arith.constant 0 : i32
        %dma_wait3A_540 = arith.constant 0 : i32
        %dma_wait3A_541 = tpu.memref_slice %arg5[%dma_wait3A_531, %dma_wait3A_539, %dma_wait3A_540] : memref<6x2x128xi32, #tpu.memory_space<vmem>> -> memref<1x2x128xi32, #tpu.memory_space<vmem>>
        %dma_wait3A_542 = tpu.memref_squeeze %dma_wait3A_541 : memref<1x2x128xi32, #tpu.memory_space<vmem>> -> memref<2x128xi32, #tpu.memory_space<vmem>>
        %dma_wait3A_543 = arith.constant 0 : i32
        %dma_wait3A_544 = arith.constant 0 : i32
        %dma_wait3A_545 = tpu.memref_slice %arg3[%dma_wait3A_543, %dma_wait3A_544] : memref<2x320000xi32, #tpu.memory_space<hbm>> -> memref<2x128xi32, #tpu.memory_space<hbm>>
        tpu.wait_dma2 semaphore(%arg16 : memref<!tpu.dma_semaphore, #tpu.memory_space<semaphore_mem>>) src(%dma_wait3A_545 : memref<2x128xi32, #tpu.memory_space<hbm>>) dst(%dma_wait3A_542 : memref<2x128xi32, #tpu.memory_space<vmem>>)
        %dma_start3A_546 = arith.constant 2 : i32
        %dma_start3A_547 = arith.constant 1 : i32
        %dma_start3A_548 = arith.constant 2 : i32
        %dma_start3A_549 = arith.constant 0 : i32
        %dma_start3A_550 = arith.constant 0 : i32
        %dma_start3A_551 = tpu.memref_slice %arg6[%dma_start3A_548, %dma_start3A_549, %dma_start3A_550] : memref<3x128x128xf32, #tpu.memory_space<vmem>> -> memref<1x128x128xf32, #tpu.memory_space<vmem>>
        %dma_start3A_552 = tpu.memref_squeeze %dma_start3A_551 : memref<1x128x128xf32, #tpu.memory_space<vmem>> -> memref<128x128xf32, #tpu.memory_space<vmem>>
        %dma_start3A_553 = arith.constant 0 : i32
        %dma_start3A_554 = tpu.memref_slice %arg5[%dma_start3A_546, %dma_start3A_547, %dma_start3A_553] : memref<6x2x128xi32, #tpu.memory_space<vmem>> -> memref<1x1x128xi32, #tpu.memory_space<vmem>>
        %dma_start3A_555 = tpu.memref_squeeze %dma_start3A_554 : memref<1x1x128xi32, #tpu.memory_space<vmem>> -> memref<128xi32, #tpu.memory_space<vmem>>
        %dma_start3A_556 = arith.constant 0 : i32
        %dma_start3A_557 = arith.constant 0 : i32
        %dma_start3A_558 = tpu.memref_slice %arg2[%dma_start3A_556, %dma_start3A_557] : memref<10000x128xf32, #tpu.memory_space<hbm>> -> memref<10000x128xf32, #tpu.memory_space<hbm>>
        tpu.enqueue_indirect_dma source(%dma_start3A_558 : memref<10000x128xf32, #tpu.memory_space<hbm>>) target(%dma_start3A_552 : memref<128x128xf32, #tpu.memory_space<vmem>>) offsets(%dma_start3A_555 : memref<128xi32, #tpu.memory_space<vmem>>) semaphore(%arg10 : memref<!tpu.dma_semaphore, #tpu.memory_space<semaphore_mem>>)
      } else {
      }
      %mul3A_246 = arith.constant 6 : i32
      %mul3A_247 = arith.muli %scan3A_196, %mul3A_246 : i32
      %add3A_248 = arith.constant 1 : i32
      %add3A_249 = arith.addi %mul3A_247, %add3A_248 : i32
      %dma_wait3A_250 = arith.constant 1 : i32
      %dma_wait3A_251 = arith.constant 0 : i32
      %dma_wait3A_252 = arith.constant 0 : i32
      %dma_wait3A_253 = tpu.memref_slice %arg6[%dma_wait3A_250, %dma_wait3A_251, %dma_wait3A_252] : memref<3x128x128xf32, #tpu.memory_space<vmem>> -> memref<1x128x128xf32, #tpu.memory_space<vmem>>
      %dma_wait3A_254 = tpu.memref_squeeze %dma_wait3A_253 : memref<1x128x128xf32, #tpu.memory_space<vmem>> -> memref<128x128xf32, #tpu.memory_space<vmem>>
      %dma_wait3A_255 = arith.constant 0 : i32
      %dma_wait3A_256 = arith.constant 0 : i32
      %dma_wait3A_257 = tpu.memref_slice %arg2[%dma_wait3A_255, %dma_wait3A_256] : memref<10000x128xf32, #tpu.memory_space<hbm>> -> memref<128x128xf32, #tpu.memory_space<hbm>>
      %dma_wait3A_258 = arith.constant 0 : i32
      %dma_wait3A_259 = arith.constant 0 : i32
      %dma_wait3A_260 = tpu.memref_slice %arg6[%dma_wait3A_250, %dma_wait3A_258, %dma_wait3A_259] : memref<3x128x128xf32, #tpu.memory_space<vmem>> -> memref<1x128x128xf32, #tpu.memory_space<vmem>>
      %dma_wait3A_261 = tpu.memref_squeeze %dma_wait3A_260 : memref<1x128x128xf32, #tpu.memory_space<vmem>> -> memref<128x128xf32, #tpu.memory_space<vmem>>
      %dma_wait3A_262 = arith.constant 0 : i32
      %dma_wait3A_263 = arith.constant 0 : i32
      %dma_wait3A_264 = tpu.memref_slice %arg2[%dma_wait3A_262, %dma_wait3A_263] : memref<10000x128xf32, #tpu.memory_space<hbm>> -> memref<128x128xf32, #tpu.memory_space<hbm>>
      tpu.wait_dma2 semaphore(%arg9 : memref<!tpu.dma_semaphore, #tpu.memory_space<semaphore_mem>>) src(%dma_wait3A_264 : memref<128x128xf32, #tpu.memory_space<hbm>>) dst(%dma_wait3A_261 : memref<128x128xf32, #tpu.memory_space<vmem>>)
      %dma_start3A_265 = arith.constant 1 : i32
      %dma_start3A_266 = arith.constant 1 : i32
      %dma_start3A_267 = arith.constant 0 : i32
      %dma_start3A_268 = arith.constant 0 : i32
      %dma_start3A_269 = arith.constant 0 : i32
      %dma_start3A_270 = tpu.memref_slice %arg6[%dma_start3A_265, %dma_start3A_268, %dma_start3A_269] : memref<3x128x128xf32, #tpu.memory_space<vmem>> -> memref<1x128x128xf32, #tpu.memory_space<vmem>>
      %dma_start3A_271 = tpu.memref_squeeze %dma_start3A_270 : memref<1x128x128xf32, #tpu.memory_space<vmem>> -> memref<128x128xf32, #tpu.memory_space<vmem>>
      %dma_start3A_272 = arith.constant 0 : i32
      %dma_start3A_273 = tpu.memref_slice %arg5[%dma_start3A_266, %dma_start3A_267, %dma_start3A_272] : memref<6x2x128xi32, #tpu.memory_space<vmem>> -> memref<1x1x128xi32, #tpu.memory_space<vmem>>
      %dma_start3A_274 = tpu.memref_squeeze %dma_start3A_273 : memref<1x1x128xi32, #tpu.memory_space<vmem>> -> memref<128xi32, #tpu.memory_space<vmem>>
      %dma_start3A_275 = arith.constant 0 : i32
      %dma_start3A_276 = arith.constant 0 : i32
      %dma_start3A_277 = tpu.memref_slice %arg7[%dma_start3A_275, %dma_start3A_276] : memref<10000x128xf32, #tpu.memory_space<vmem_shared>> -> memref<10000x128xf32, #tpu.memory_space<vmem_shared>>
      tpu.enqueue_indirect_dma source(%dma_start3A_271 : memref<128x128xf32, #tpu.memory_space<vmem>>) target(%dma_start3A_277 : memref<10000x128xf32, #tpu.memory_space<vmem_shared>>) offsets(%dma_start3A_274 : memref<128xi32, #tpu.memory_space<vmem>>) semaphore(%arg12 : memref<!tpu.dma_semaphore, #tpu.memory_space<semaphore_mem>>) {add = true}
      %dma_wait3A_278 = arith.constant 0 : i32
      %dma_wait3A_279 = arith.constant 0 : i32
      %dma_wait3A_280 = arith.constant 0 : i32
      %dma_wait3A_281 = arith.constant 0 : i32
      %dma_wait3A_282 = arith.constant 0 : i32
      %dma_wait3A_283 = tpu.memref_slice %arg6[%dma_wait3A_278, %dma_wait3A_281, %dma_wait3A_282] : memref<3x128x128xf32, #tpu.memory_space<vmem>> -> memref<1x128x128xf32, #tpu.memory_space<vmem>>
      %dma_wait3A_284 = tpu.memref_squeeze %dma_wait3A_283 : memref<1x128x128xf32, #tpu.memory_space<vmem>> -> memref<128x128xf32, #tpu.memory_space<vmem>>
      %dma_wait3A_285 = arith.constant 0 : i32
      %dma_wait3A_286 = tpu.memref_slice %arg5[%dma_wait3A_279, %dma_wait3A_280, %dma_wait3A_285] : memref<6x2x128xi32, #tpu.memory_space<vmem>> -> memref<1x1x128xi32, #tpu.memory_space<vmem>>
      %dma_wait3A_287 = tpu.memref_squeeze %dma_wait3A_286 : memref<1x1x128xi32, #tpu.memory_space<vmem>> -> memref<128xi32, #tpu.memory_space<vmem>>
      %dma_wait3A_288 = arith.constant 0 : i32
      %dma_wait3A_289 = arith.constant 0 : i32
      %dma_wait3A_290 = tpu.memref_slice %arg7[%dma_wait3A_288, %dma_wait3A_289] : memref<10000x128xf32, #tpu.memory_space<vmem_shared>> -> memref<10000x128xf32, #tpu.memory_space<vmem_shared>>
      tpu.wait_indirect_dma semaphore(%arg11 : memref<!tpu.dma_semaphore, #tpu.memory_space<semaphore_mem>>) src(%dma_wait3A_284 : memref<128x128xf32, #tpu.memory_space<vmem>>) dst(%dma_wait3A_290 : memref<10000x128xf32, #tpu.memory_space<vmem_shared>>)
      %add3A_291 = arith.constant 4 : i32
      %add3A_292 = arith.addi %add3A_249, %add3A_291 : i32
      %lt3A_293 = arith.cmpi slt, %add3A_292, %add3A_41 : i32
      %convert_element_type3A_294 = arith.extui %lt3A_293 : i1 to i32
      %cond3A_295 = arith.constant 0 : i32
      %cond3A_296 = arith.cmpi ne, %convert_element_type3A_294, %cond3A_295 : i32
      scf.if %cond3A_296 {
        %add3A_531 = arith.constant 4 : i32
        %add3A_532 = arith.addi %add3A_249, %add3A_531 : i32
        %add3A_533 = arith.addi %add3A_36, %add3A_532 : i32
        %mul3A_534 = arith.constant 128 : i32
        %mul3A_535 = arith.muli %add3A_533, %mul3A_534 : i32
        %dma_start3A_536 = arith.constant 5 : i32
        %dma_start3A_537 = arith.constant 0 : i32
        %dma_start3A_538 = arith.constant 0 : i32
        %dma_start3A_539 = tpu.memref_slice %arg5[%dma_start3A_536, %dma_start3A_537, %dma_start3A_538] : memref<6x2x128xi32, #tpu.memory_space<vmem>> -> memref<1x2x128xi32, #tpu.memory_space<vmem>>
        %dma_start3A_540 = tpu.memref_squeeze %dma_start3A_539 : memref<1x2x128xi32, #tpu.memory_space<vmem>> -> memref<2x128xi32, #tpu.memory_space<vmem>>
        %dma_start3A_541 = arith.constant 0 : i32
        %dma_start3A_542 = tpu.memref_slice %arg3[%dma_start3A_541, %mul3A_535] : memref<2x320000xi32, #tpu.memory_space<hbm>> -> memref<2x128xi32, #tpu.memory_space<hbm>>
        %dma_start3A_543 = arith.constant 0 : i32
        %dma_start3A_544 = arith.constant 0 : i32
        %dma_start3A_545 = tpu.memref_slice %arg5[%dma_start3A_536, %dma_start3A_543, %dma_start3A_544] : memref<6x2x128xi32, #tpu.memory_space<vmem>> -> memref<1x2x128xi32, #tpu.memory_space<vmem>>
        %dma_start3A_546 = tpu.memref_squeeze %dma_start3A_545 : memref<1x2x128xi32, #tpu.memory_space<vmem>> -> memref<2x128xi32, #tpu.memory_space<vmem>>
        %dma_start3A_547 = arith.constant 0 : i32
        %dma_start3A_548 = tpu.memref_slice %arg3[%dma_start3A_547, %mul3A_535] : memref<2x320000xi32, #tpu.memory_space<hbm>> -> memref<2x128xi32, #tpu.memory_space<hbm>>
        tpu.enqueue_dma source(%dma_start3A_548 : memref<2x128xi32, #tpu.memory_space<hbm>>) target(%dma_start3A_546 : memref<2x128xi32, #tpu.memory_space<vmem>>) target_semaphore(%arg19 : memref<!tpu.dma_semaphore, #tpu.memory_space<semaphore_mem>>)
      } else {
      }
      %add3A_297 = arith.constant 2 : i32
      %add3A_298 = arith.addi %add3A_249, %add3A_297 : i32
      %lt3A_299 = arith.cmpi slt, %add3A_298, %add3A_41 : i32
      %convert_element_type3A_300 = arith.extui %lt3A_299 : i1 to i32
      %cond3A_301 = arith.constant 0 : i32
      %cond3A_302 = arith.cmpi ne, %convert_element_type3A_300, %cond3A_301 : i32
      scf.if %cond3A_302 {
        %dma_wait3A_531 = arith.constant 3 : i32
        %dma_wait3A_532 = arith.constant 0 : i32
        %dma_wait3A_533 = arith.constant 0 : i32
        %dma_wait3A_534 = tpu.memref_slice %arg5[%dma_wait3A_531, %dma_wait3A_532, %dma_wait3A_533] : memref<6x2x128xi32, #tpu.memory_space<vmem>> -> memref<1x2x128xi32, #tpu.memory_space<vmem>>
        %dma_wait3A_535 = tpu.memref_squeeze %dma_wait3A_534 : memref<1x2x128xi32, #tpu.memory_space<vmem>> -> memref<2x128xi32, #tpu.memory_space<vmem>>
        %dma_wait3A_536 = arith.constant 0 : i32
        %dma_wait3A_537 = arith.constant 0 : i32
        %dma_wait3A_538 = tpu.memref_slice %arg3[%dma_wait3A_536, %dma_wait3A_537] : memref<2x320000xi32, #tpu.memory_space<hbm>> -> memref<2x128xi32, #tpu.memory_space<hbm>>
        %dma_wait3A_539 = arith.constant 0 : i32
        %dma_wait3A_540 = arith.constant 0 : i32
        %dma_wait3A_541 = tpu.memref_slice %arg5[%dma_wait3A_531, %dma_wait3A_539, %dma_wait3A_540] : memref<6x2x128xi32, #tpu.memory_space<vmem>> -> memref<1x2x128xi32, #tpu.memory_space<vmem>>
        %dma_wait3A_542 = tpu.memref_squeeze %dma_wait3A_541 : memref<1x2x128xi32, #tpu.memory_space<vmem>> -> memref<2x128xi32, #tpu.memory_space<vmem>>
        %dma_wait3A_543 = arith.constant 0 : i32
        %dma_wait3A_544 = arith.constant 0 : i32
        %dma_wait3A_545 = tpu.memref_slice %arg3[%dma_wait3A_543, %dma_wait3A_544] : memref<2x320000xi32, #tpu.memory_space<hbm>> -> memref<2x128xi32, #tpu.memory_space<hbm>>
        tpu.wait_dma2 semaphore(%arg17 : memref<!tpu.dma_semaphore, #tpu.memory_space<semaphore_mem>>) src(%dma_wait3A_545 : memref<2x128xi32, #tpu.memory_space<hbm>>) dst(%dma_wait3A_542 : memref<2x128xi32, #tpu.memory_space<vmem>>)
        %dma_start3A_546 = arith.constant 3 : i32
        %dma_start3A_547 = arith.constant 1 : i32
        %dma_start3A_548 = arith.constant 0 : i32
        %dma_start3A_549 = arith.constant 0 : i32
        %dma_start3A_550 = arith.constant 0 : i32
        %dma_start3A_551 = tpu.memref_slice %arg6[%dma_start3A_548, %dma_start3A_549, %dma_start3A_550] : memref<3x128x128xf32, #tpu.memory_space<vmem>> -> memref<1x128x128xf32, #tpu.memory_space<vmem>>
        %dma_start3A_552 = tpu.memref_squeeze %dma_start3A_551 : memref<1x128x128xf32, #tpu.memory_space<vmem>> -> memref<128x128xf32, #tpu.memory_space<vmem>>
        %dma_start3A_553 = arith.constant 0 : i32
        %dma_start3A_554 = tpu.memref_slice %arg5[%dma_start3A_546, %dma_start3A_547, %dma_start3A_553] : memref<6x2x128xi32, #tpu.memory_space<vmem>> -> memref<1x1x128xi32, #tpu.memory_space<vmem>>
        %dma_start3A_555 = tpu.memref_squeeze %dma_start3A_554 : memref<1x1x128xi32, #tpu.memory_space<vmem>> -> memref<128xi32, #tpu.memory_space<vmem>>
        %dma_start3A_556 = arith.constant 0 : i32
        %dma_start3A_557 = arith.constant 0 : i32
        %dma_start3A_558 = tpu.memref_slice %arg2[%dma_start3A_556, %dma_start3A_557] : memref<10000x128xf32, #tpu.memory_space<hbm>> -> memref<10000x128xf32, #tpu.memory_space<hbm>>
        tpu.enqueue_indirect_dma source(%dma_start3A_558 : memref<10000x128xf32, #tpu.memory_space<hbm>>) target(%dma_start3A_552 : memref<128x128xf32, #tpu.memory_space<vmem>>) offsets(%dma_start3A_555 : memref<128xi32, #tpu.memory_space<vmem>>) semaphore(%arg8 : memref<!tpu.dma_semaphore, #tpu.memory_space<semaphore_mem>>)
      } else {
      }
      %mul3A_303 = arith.constant 6 : i32
      %mul3A_304 = arith.muli %scan3A_196, %mul3A_303 : i32
      %add3A_305 = arith.constant 2 : i32
      %add3A_306 = arith.addi %mul3A_304, %add3A_305 : i32
      %dma_wait3A_307 = arith.constant 2 : i32
      %dma_wait3A_308 = arith.constant 0 : i32
      %dma_wait3A_309 = arith.constant 0 : i32
      %dma_wait3A_310 = tpu.memref_slice %arg6[%dma_wait3A_307, %dma_wait3A_308, %dma_wait3A_309] : memref<3x128x128xf32, #tpu.memory_space<vmem>> -> memref<1x128x128xf32, #tpu.memory_space<vmem>>
      %dma_wait3A_311 = tpu.memref_squeeze %dma_wait3A_310 : memref<1x128x128xf32, #tpu.memory_space<vmem>> -> memref<128x128xf32, #tpu.memory_space<vmem>>
      %dma_wait3A_312 = arith.constant 0 : i32
      %dma_wait3A_313 = arith.constant 0 : i32
      %dma_wait3A_314 = tpu.memref_slice %arg2[%dma_wait3A_312, %dma_wait3A_313] : memref<10000x128xf32, #tpu.memory_space<hbm>> -> memref<128x128xf32, #tpu.memory_space<hbm>>
      %dma_wait3A_315 = arith.constant 0 : i32
      %dma_wait3A_316 = arith.constant 0 : i32
      %dma_wait3A_317 = tpu.memref_slice %arg6[%dma_wait3A_307, %dma_wait3A_315, %dma_wait3A_316] : memref<3x128x128xf32, #tpu.memory_space<vmem>> -> memref<1x128x128xf32, #tpu.memory_space<vmem>>
      %dma_wait3A_318 = tpu.memref_squeeze %dma_wait3A_317 : memref<1x128x128xf32, #tpu.memory_space<vmem>> -> memref<128x128xf32, #tpu.memory_space<vmem>>
      %dma_wait3A_319 = arith.constant 0 : i32
      %dma_wait3A_320 = arith.constant 0 : i32
      %dma_wait3A_321 = tpu.memref_slice %arg2[%dma_wait3A_319, %dma_wait3A_320] : memref<10000x128xf32, #tpu.memory_space<hbm>> -> memref<128x128xf32, #tpu.memory_space<hbm>>
      tpu.wait_dma2 semaphore(%arg10 : memref<!tpu.dma_semaphore, #tpu.memory_space<semaphore_mem>>) src(%dma_wait3A_321 : memref<128x128xf32, #tpu.memory_space<hbm>>) dst(%dma_wait3A_318 : memref<128x128xf32, #tpu.memory_space<vmem>>)
      %dma_start3A_322 = arith.constant 2 : i32
      %dma_start3A_323 = arith.constant 2 : i32
      %dma_start3A_324 = arith.constant 0 : i32
      %dma_start3A_325 = arith.constant 0 : i32
      %dma_start3A_326 = arith.constant 0 : i32
      %dma_start3A_327 = tpu.memref_slice %arg6[%dma_start3A_322, %dma_start3A_325, %dma_start3A_326] : memref<3x128x128xf32, #tpu.memory_space<vmem>> -> memref<1x128x128xf32, #tpu.memory_space<vmem>>
      %dma_start3A_328 = tpu.memref_squeeze %dma_start3A_327 : memref<1x128x128xf32, #tpu.memory_space<vmem>> -> memref<128x128xf32, #tpu.memory_space<vmem>>
      %dma_start3A_329 = arith.constant 0 : i32
      %dma_start3A_330 = tpu.memref_slice %arg5[%dma_start3A_323, %dma_start3A_324, %dma_start3A_329] : memref<6x2x128xi32, #tpu.memory_space<vmem>> -> memref<1x1x128xi32, #tpu.memory_space<vmem>>
      %dma_start3A_331 = tpu.memref_squeeze %dma_start3A_330 : memref<1x1x128xi32, #tpu.memory_space<vmem>> -> memref<128xi32, #tpu.memory_space<vmem>>
      %dma_start3A_332 = arith.constant 0 : i32
      %dma_start3A_333 = arith.constant 0 : i32
      %dma_start3A_334 = tpu.memref_slice %arg7[%dma_start3A_332, %dma_start3A_333] : memref<10000x128xf32, #tpu.memory_space<vmem_shared>> -> memref<10000x128xf32, #tpu.memory_space<vmem_shared>>
      tpu.enqueue_indirect_dma source(%dma_start3A_328 : memref<128x128xf32, #tpu.memory_space<vmem>>) target(%dma_start3A_334 : memref<10000x128xf32, #tpu.memory_space<vmem_shared>>) offsets(%dma_start3A_331 : memref<128xi32, #tpu.memory_space<vmem>>) semaphore(%arg13 : memref<!tpu.dma_semaphore, #tpu.memory_space<semaphore_mem>>) {add = true}
      %dma_wait3A_335 = arith.constant 1 : i32
      %dma_wait3A_336 = arith.constant 0 : i32
      %dma_wait3A_337 = arith.constant 0 : i32
      %dma_wait3A_338 = arith.constant 0 : i32
      %dma_wait3A_339 = arith.constant 0 : i32
      %dma_wait3A_340 = tpu.memref_slice %arg6[%dma_wait3A_335, %dma_wait3A_338, %dma_wait3A_339] : memref<3x128x128xf32, #tpu.memory_space<vmem>> -> memref<1x128x128xf32, #tpu.memory_space<vmem>>
      %dma_wait3A_341 = tpu.memref_squeeze %dma_wait3A_340 : memref<1x128x128xf32, #tpu.memory_space<vmem>> -> memref<128x128xf32, #tpu.memory_space<vmem>>
      %dma_wait3A_342 = arith.constant 0 : i32
      %dma_wait3A_343 = tpu.memref_slice %arg5[%dma_wait3A_336, %dma_wait3A_337, %dma_wait3A_342] : memref<6x2x128xi32, #tpu.memory_space<vmem>> -> memref<1x1x128xi32, #tpu.memory_space<vmem>>
      %dma_wait3A_344 = tpu.memref_squeeze %dma_wait3A_343 : memref<1x1x128xi32, #tpu.memory_space<vmem>> -> memref<128xi32, #tpu.memory_space<vmem>>
      %dma_wait3A_345 = arith.constant 0 : i32
      %dma_wait3A_346 = arith.constant 0 : i32
      %dma_wait3A_347 = tpu.memref_slice %arg7[%dma_wait3A_345, %dma_wait3A_346] : memref<10000x128xf32, #tpu.memory_space<vmem_shared>> -> memref<10000x128xf32, #tpu.memory_space<vmem_shared>>
      tpu.wait_indirect_dma semaphore(%arg12 : memref<!tpu.dma_semaphore, #tpu.memory_space<semaphore_mem>>) src(%dma_wait3A_341 : memref<128x128xf32, #tpu.memory_space<vmem>>) dst(%dma_wait3A_347 : memref<10000x128xf32, #tpu.memory_space<vmem_shared>>)
      %add3A_348 = arith.constant 4 : i32
      %add3A_349 = arith.addi %add3A_306, %add3A_348 : i32
      %lt3A_350 = arith.cmpi slt, %add3A_349, %add3A_41 : i32
      %convert_element_type3A_351 = arith.extui %lt3A_350 : i1 to i32
      %cond3A_352 = arith.constant 0 : i32
      %cond3A_353 = arith.cmpi ne, %convert_element_type3A_351, %cond3A_352 : i32
      scf.if %cond3A_353 {
        %add3A_531 = arith.constant 4 : i32
        %add3A_532 = arith.addi %add3A_306, %add3A_531 : i32
        %add3A_533 = arith.addi %add3A_36, %add3A_532 : i32
        %mul3A_534 = arith.constant 128 : i32
        %mul3A_535 = arith.muli %add3A_533, %mul3A_534 : i32
        %dma_start3A_536 = arith.constant 0 : i32
        %dma_start3A_537 = arith.constant 0 : i32
        %dma_start3A_538 = arith.constant 0 : i32
        %dma_start3A_539 = tpu.memref_slice %arg5[%dma_start3A_536, %dma_start3A_537, %dma_start3A_538] : memref<6x2x128xi32, #tpu.memory_space<vmem>> -> memref<1x2x128xi32, #tpu.memory_space<vmem>>
        %dma_start3A_540 = tpu.memref_squeeze %dma_start3A_539 : memref<1x2x128xi32, #tpu.memory_space<vmem>> -> memref<2x128xi32, #tpu.memory_space<vmem>>
        %dma_start3A_541 = arith.constant 0 : i32
        %dma_start3A_542 = tpu.memref_slice %arg3[%dma_start3A_541, %mul3A_535] : memref<2x320000xi32, #tpu.memory_space<hbm>> -> memref<2x128xi32, #tpu.memory_space<hbm>>
        %dma_start3A_543 = arith.constant 0 : i32
        %dma_start3A_544 = arith.constant 0 : i32
        %dma_start3A_545 = tpu.memref_slice %arg5[%dma_start3A_536, %dma_start3A_543, %dma_start3A_544] : memref<6x2x128xi32, #tpu.memory_space<vmem>> -> memref<1x2x128xi32, #tpu.memory_space<vmem>>
        %dma_start3A_546 = tpu.memref_squeeze %dma_start3A_545 : memref<1x2x128xi32, #tpu.memory_space<vmem>> -> memref<2x128xi32, #tpu.memory_space<vmem>>
        %dma_start3A_547 = arith.constant 0 : i32
        %dma_start3A_548 = tpu.memref_slice %arg3[%dma_start3A_547, %mul3A_535] : memref<2x320000xi32, #tpu.memory_space<hbm>> -> memref<2x128xi32, #tpu.memory_space<hbm>>
        tpu.enqueue_dma source(%dma_start3A_548 : memref<2x128xi32, #tpu.memory_space<hbm>>) target(%dma_start3A_546 : memref<2x128xi32, #tpu.memory_space<vmem>>) target_semaphore(%arg14 : memref<!tpu.dma_semaphore, #tpu.memory_space<semaphore_mem>>)
      } else {
      }
      %add3A_354 = arith.constant 2 : i32
      %add3A_355 = arith.addi %add3A_306, %add3A_354 : i32
      %lt3A_356 = arith.cmpi slt, %add3A_355, %add3A_41 : i32
      %convert_element_type3A_357 = arith.extui %lt3A_356 : i1 to i32
      %cond3A_358 = arith.constant 0 : i32
      %cond3A_359 = arith.cmpi ne, %convert_element_type3A_357, %cond3A_358 : i32
      scf.if %cond3A_359 {
        %dma_wait3A_531 = arith.constant 4 : i32
        %dma_wait3A_532 = arith.constant 0 : i32
        %dma_wait3A_533 = arith.constant 0 : i32
        %dma_wait3A_534 = tpu.memref_slice %arg5[%dma_wait3A_531, %dma_wait3A_532, %dma_wait3A_533] : memref<6x2x128xi32, #tpu.memory_space<vmem>> -> memref<1x2x128xi32, #tpu.memory_space<vmem>>
        %dma_wait3A_535 = tpu.memref_squeeze %dma_wait3A_534 : memref<1x2x128xi32, #tpu.memory_space<vmem>> -> memref<2x128xi32, #tpu.memory_space<vmem>>
        %dma_wait3A_536 = arith.constant 0 : i32
        %dma_wait3A_537 = arith.constant 0 : i32
        %dma_wait3A_538 = tpu.memref_slice %arg3[%dma_wait3A_536, %dma_wait3A_537] : memref<2x320000xi32, #tpu.memory_space<hbm>> -> memref<2x128xi32, #tpu.memory_space<hbm>>
        %dma_wait3A_539 = arith.constant 0 : i32
        %dma_wait3A_540 = arith.constant 0 : i32
        %dma_wait3A_541 = tpu.memref_slice %arg5[%dma_wait3A_531, %dma_wait3A_539, %dma_wait3A_540] : memref<6x2x128xi32, #tpu.memory_space<vmem>> -> memref<1x2x128xi32, #tpu.memory_space<vmem>>
        %dma_wait3A_542 = tpu.memref_squeeze %dma_wait3A_541 : memref<1x2x128xi32, #tpu.memory_space<vmem>> -> memref<2x128xi32, #tpu.memory_space<vmem>>
        %dma_wait3A_543 = arith.constant 0 : i32
        %dma_wait3A_544 = arith.constant 0 : i32
        %dma_wait3A_545 = tpu.memref_slice %arg3[%dma_wait3A_543, %dma_wait3A_544] : memref<2x320000xi32, #tpu.memory_space<hbm>> -> memref<2x128xi32, #tpu.memory_space<hbm>>
        tpu.wait_dma2 semaphore(%arg18 : memref<!tpu.dma_semaphore, #tpu.memory_space<semaphore_mem>>) src(%dma_wait3A_545 : memref<2x128xi32, #tpu.memory_space<hbm>>) dst(%dma_wait3A_542 : memref<2x128xi32, #tpu.memory_space<vmem>>)
        %dma_start3A_546 = arith.constant 4 : i32
        %dma_start3A_547 = arith.constant 1 : i32
        %dma_start3A_548 = arith.constant 1 : i32
        %dma_start3A_549 = arith.constant 0 : i32
        %dma_start3A_550 = arith.constant 0 : i32
        %dma_start3A_551 = tpu.memref_slice %arg6[%dma_start3A_548, %dma_start3A_549, %dma_start3A_550] : memref<3x128x128xf32, #tpu.memory_space<vmem>> -> memref<1x128x128xf32, #tpu.memory_space<vmem>>
        %dma_start3A_552 = tpu.memref_squeeze %dma_start3A_551 : memref<1x128x128xf32, #tpu.memory_space<vmem>> -> memref<128x128xf32, #tpu.memory_space<vmem>>
        %dma_start3A_553 = arith.constant 0 : i32
        %dma_start3A_554 = tpu.memref_slice %arg5[%dma_start3A_546, %dma_start3A_547, %dma_start3A_553] : memref<6x2x128xi32, #tpu.memory_space<vmem>> -> memref<1x1x128xi32, #tpu.memory_space<vmem>>
        %dma_start3A_555 = tpu.memref_squeeze %dma_start3A_554 : memref<1x1x128xi32, #tpu.memory_space<vmem>> -> memref<128xi32, #tpu.memory_space<vmem>>
        %dma_start3A_556 = arith.constant 0 : i32
        %dma_start3A_557 = arith.constant 0 : i32
        %dma_start3A_558 = tpu.memref_slice %arg2[%dma_start3A_556, %dma_start3A_557] : memref<10000x128xf32, #tpu.memory_space<hbm>> -> memref<10000x128xf32, #tpu.memory_space<hbm>>
        tpu.enqueue_indirect_dma source(%dma_start3A_558 : memref<10000x128xf32, #tpu.memory_space<hbm>>) target(%dma_start3A_552 : memref<128x128xf32, #tpu.memory_space<vmem>>) offsets(%dma_start3A_555 : memref<128xi32, #tpu.memory_space<vmem>>) semaphore(%arg9 : memref<!tpu.dma_semaphore, #tpu.memory_space<semaphore_mem>>)
      } else {
      }
      %mul3A_360 = arith.constant 6 : i32
      %mul3A_361 = arith.muli %scan3A_196, %mul3A_360 : i32
      %add3A_362 = arith.constant 3 : i32
      %add3A_363 = arith.addi %mul3A_361, %add3A_362 : i32
      %dma_wait3A_364 = arith.constant 0 : i32
      %dma_wait3A_365 = arith.constant 0 : i32
      %dma_wait3A_366 = arith.constant 0 : i32
      %dma_wait3A_367 = tpu.memref_slice %arg6[%dma_wait3A_364, %dma_wait3A_365, %dma_wait3A_366] : memref<3x128x128xf32, #tpu.memory_space<vmem>> -> memref<1x128x128xf32, #tpu.memory_space<vmem>>
      %dma_wait3A_368 = tpu.memref_squeeze %dma_wait3A_367 : memref<1x128x128xf32, #tpu.memory_space<vmem>> -> memref<128x128xf32, #tpu.memory_space<vmem>>
      %dma_wait3A_369 = arith.constant 0 : i32
      %dma_wait3A_370 = arith.constant 0 : i32
      %dma_wait3A_371 = tpu.memref_slice %arg2[%dma_wait3A_369, %dma_wait3A_370] : memref<10000x128xf32, #tpu.memory_space<hbm>> -> memref<128x128xf32, #tpu.memory_space<hbm>>
      %dma_wait3A_372 = arith.constant 0 : i32
      %dma_wait3A_373 = arith.constant 0 : i32
      %dma_wait3A_374 = tpu.memref_slice %arg6[%dma_wait3A_364, %dma_wait3A_372, %dma_wait3A_373] : memref<3x128x128xf32, #tpu.memory_space<vmem>> -> memref<1x128x128xf32, #tpu.memory_space<vmem>>
      %dma_wait3A_375 = tpu.memref_squeeze %dma_wait3A_374 : memref<1x128x128xf32, #tpu.memory_space<vmem>> -> memref<128x128xf32, #tpu.memory_space<vmem>>
      %dma_wait3A_376 = arith.constant 0 : i32
      %dma_wait3A_377 = arith.constant 0 : i32
      %dma_wait3A_378 = tpu.memref_slice %arg2[%dma_wait3A_376, %dma_wait3A_377] : memref<10000x128xf32, #tpu.memory_space<hbm>> -> memref<128x128xf32, #tpu.memory_space<hbm>>
      tpu.wait_dma2 semaphore(%arg8 : memref<!tpu.dma_semaphore, #tpu.memory_space<semaphore_mem>>) src(%dma_wait3A_378 : memref<128x128xf32, #tpu.memory_space<hbm>>) dst(%dma_wait3A_375 : memref<128x128xf32, #tpu.memory_space<vmem>>)
      %dma_start3A_379 = arith.constant 0 : i32
      %dma_start3A_380 = arith.constant 3 : i32
      %dma_start3A_381 = arith.constant 0 : i32
      %dma_start3A_382 = arith.constant 0 : i32
      %dma_start3A_383 = arith.constant 0 : i32
      %dma_start3A_384 = tpu.memref_slice %arg6[%dma_start3A_379, %dma_start3A_382, %dma_start3A_383] : memref<3x128x128xf32, #tpu.memory_space<vmem>> -> memref<1x128x128xf32, #tpu.memory_space<vmem>>
      %dma_start3A_385 = tpu.memref_squeeze %dma_start3A_384 : memref<1x128x128xf32, #tpu.memory_space<vmem>> -> memref<128x128xf32, #tpu.memory_space<vmem>>
      %dma_start3A_386 = arith.constant 0 : i32
      %dma_start3A_387 = tpu.memref_slice %arg5[%dma_start3A_380, %dma_start3A_381, %dma_start3A_386] : memref<6x2x128xi32, #tpu.memory_space<vmem>> -> memref<1x1x128xi32, #tpu.memory_space<vmem>>
      %dma_start3A_388 = tpu.memref_squeeze %dma_start3A_387 : memref<1x1x128xi32, #tpu.memory_space<vmem>> -> memref<128xi32, #tpu.memory_space<vmem>>
      %dma_start3A_389 = arith.constant 0 : i32
      %dma_start3A_390 = arith.constant 0 : i32
      %dma_start3A_391 = tpu.memref_slice %arg7[%dma_start3A_389, %dma_start3A_390] : memref<10000x128xf32, #tpu.memory_space<vmem_shared>> -> memref<10000x128xf32, #tpu.memory_space<vmem_shared>>
      tpu.enqueue_indirect_dma source(%dma_start3A_385 : memref<128x128xf32, #tpu.memory_space<vmem>>) target(%dma_start3A_391 : memref<10000x128xf32, #tpu.memory_space<vmem_shared>>) offsets(%dma_start3A_388 : memref<128xi32, #tpu.memory_space<vmem>>) semaphore(%arg11 : memref<!tpu.dma_semaphore, #tpu.memory_space<semaphore_mem>>) {add = true}
      %dma_wait3A_392 = arith.constant 2 : i32
      %dma_wait3A_393 = arith.constant 0 : i32
      %dma_wait3A_394 = arith.constant 0 : i32
      %dma_wait3A_395 = arith.constant 0 : i32
      %dma_wait3A_396 = arith.constant 0 : i32
      %dma_wait3A_397 = tpu.memref_slice %arg6[%dma_wait3A_392, %dma_wait3A_395, %dma_wait3A_396] : memref<3x128x128xf32, #tpu.memory_space<vmem>> -> memref<1x128x128xf32, #tpu.memory_space<vmem>>
      %dma_wait3A_398 = tpu.memref_squeeze %dma_wait3A_397 : memref<1x128x128xf32, #tpu.memory_space<vmem>> -> memref<128x128xf32, #tpu.memory_space<vmem>>
      %dma_wait3A_399 = arith.constant 0 : i32
      %dma_wait3A_400 = tpu.memref_slice %arg5[%dma_wait3A_393, %dma_wait3A_394, %dma_wait3A_399] : memref<6x2x128xi32, #tpu.memory_space<vmem>> -> memref<1x1x128xi32, #tpu.memory_space<vmem>>
      %dma_wait3A_401 = tpu.memref_squeeze %dma_wait3A_400 : memref<1x1x128xi32, #tpu.memory_space<vmem>> -> memref<128xi32, #tpu.memory_space<vmem>>
      %dma_wait3A_402 = arith.constant 0 : i32
      %dma_wait3A_403 = arith.constant 0 : i32
      %dma_wait3A_404 = tpu.memref_slice %arg7[%dma_wait3A_402, %dma_wait3A_403] : memref<10000x128xf32, #tpu.memory_space<vmem_shared>> -> memref<10000x128xf32, #tpu.memory_space<vmem_shared>>
      tpu.wait_indirect_dma semaphore(%arg13 : memref<!tpu.dma_semaphore, #tpu.memory_space<semaphore_mem>>) src(%dma_wait3A_398 : memref<128x128xf32, #tpu.memory_space<vmem>>) dst(%dma_wait3A_404 : memref<10000x128xf32, #tpu.memory_space<vmem_shared>>)
      %add3A_405 = arith.constant 4 : i32
      %add3A_406 = arith.addi %add3A_363, %add3A_405 : i32
      %lt3A_407 = arith.cmpi slt, %add3A_406, %add3A_41 : i32
      %convert_element_type3A_408 = arith.extui %lt3A_407 : i1 to i32
      %cond3A_409 = arith.constant 0 : i32
      %cond3A_410 = arith.cmpi ne, %convert_element_type3A_408, %cond3A_409 : i32
      scf.if %cond3A_410 {
        %add3A_531 = arith.constant 4 : i32
        %add3A_532 = arith.addi %add3A_363, %add3A_531 : i32
        %add3A_533 = arith.addi %add3A_36, %add3A_532 : i32
        %mul3A_534 = arith.constant 128 : i32
        %mul3A_535 = arith.muli %add3A_533, %mul3A_534 : i32
        %dma_start3A_536 = arith.constant 1 : i32
        %dma_start3A_537 = arith.constant 0 : i32
        %dma_start3A_538 = arith.constant 0 : i32
        %dma_start3A_539 = tpu.memref_slice %arg5[%dma_start3A_536, %dma_start3A_537, %dma_start3A_538] : memref<6x2x128xi32, #tpu.memory_space<vmem>> -> memref<1x2x128xi32, #tpu.memory_space<vmem>>
        %dma_start3A_540 = tpu.memref_squeeze %dma_start3A_539 : memref<1x2x128xi32, #tpu.memory_space<vmem>> -> memref<2x128xi32, #tpu.memory_space<vmem>>
        %dma_start3A_541 = arith.constant 0 : i32
        %dma_start3A_542 = tpu.memref_slice %arg3[%dma_start3A_541, %mul3A_535] : memref<2x320000xi32, #tpu.memory_space<hbm>> -> memref<2x128xi32, #tpu.memory_space<hbm>>
        %dma_start3A_543 = arith.constant 0 : i32
        %dma_start3A_544 = arith.constant 0 : i32
        %dma_start3A_545 = tpu.memref_slice %arg5[%dma_start3A_536, %dma_start3A_543, %dma_start3A_544] : memref<6x2x128xi32, #tpu.memory_space<vmem>> -> memref<1x2x128xi32, #tpu.memory_space<vmem>>
        %dma_start3A_546 = tpu.memref_squeeze %dma_start3A_545 : memref<1x2x128xi32, #tpu.memory_space<vmem>> -> memref<2x128xi32, #tpu.memory_space<vmem>>
        %dma_start3A_547 = arith.constant 0 : i32
        %dma_start3A_548 = tpu.memref_slice %arg3[%dma_start3A_547, %mul3A_535] : memref<2x320000xi32, #tpu.memory_space<hbm>> -> memref<2x128xi32, #tpu.memory_space<hbm>>
        tpu.enqueue_dma source(%dma_start3A_548 : memref<2x128xi32, #tpu.memory_space<hbm>>) target(%dma_start3A_546 : memref<2x128xi32, #tpu.memory_space<vmem>>) target_semaphore(%arg15 : memref<!tpu.dma_semaphore, #tpu.memory_space<semaphore_mem>>)
      } else {
      }
      %add3A_411 = arith.constant 2 : i32
      %add3A_412 = arith.addi %add3A_363, %add3A_411 : i32
      %lt3A_413 = arith.cmpi slt, %add3A_412, %add3A_41 : i32
      %convert_element_type3A_414 = arith.extui %lt3A_413 : i1 to i32
      %cond3A_415 = arith.constant 0 : i32
      %cond3A_416 = arith.cmpi ne, %convert_element_type3A_414, %cond3A_415 : i32
      scf.if %cond3A_416 {
        %dma_wait3A_531 = arith.constant 5 : i32
        %dma_wait3A_532 = arith.constant 0 : i32
        %dma_wait3A_533 = arith.constant 0 : i32
        %dma_wait3A_534 = tpu.memref_slice %arg5[%dma_wait3A_531, %dma_wait3A_532, %dma_wait3A_533] : memref<6x2x128xi32, #tpu.memory_space<vmem>> -> memref<1x2x128xi32, #tpu.memory_space<vmem>>
        %dma_wait3A_535 = tpu.memref_squeeze %dma_wait3A_534 : memref<1x2x128xi32, #tpu.memory_space<vmem>> -> memref<2x128xi32, #tpu.memory_space<vmem>>
        %dma_wait3A_536 = arith.constant 0 : i32
        %dma_wait3A_537 = arith.constant 0 : i32
        %dma_wait3A_538 = tpu.memref_slice %arg3[%dma_wait3A_536, %dma_wait3A_537] : memref<2x320000xi32, #tpu.memory_space<hbm>> -> memref<2x128xi32, #tpu.memory_space<hbm>>
        %dma_wait3A_539 = arith.constant 0 : i32
        %dma_wait3A_540 = arith.constant 0 : i32
        %dma_wait3A_541 = tpu.memref_slice %arg5[%dma_wait3A_531, %dma_wait3A_539, %dma_wait3A_540] : memref<6x2x128xi32, #tpu.memory_space<vmem>> -> memref<1x2x128xi32, #tpu.memory_space<vmem>>
        %dma_wait3A_542 = tpu.memref_squeeze %dma_wait3A_541 : memref<1x2x128xi32, #tpu.memory_space<vmem>> -> memref<2x128xi32, #tpu.memory_space<vmem>>
        %dma_wait3A_543 = arith.constant 0 : i32
        %dma_wait3A_544 = arith.constant 0 : i32
        %dma_wait3A_545 = tpu.memref_slice %arg3[%dma_wait3A_543, %dma_wait3A_544] : memref<2x320000xi32, #tpu.memory_space<hbm>> -> memref<2x128xi32, #tpu.memory_space<hbm>>
        tpu.wait_dma2 semaphore(%arg19 : memref<!tpu.dma_semaphore, #tpu.memory_space<semaphore_mem>>) src(%dma_wait3A_545 : memref<2x128xi32, #tpu.memory_space<hbm>>) dst(%dma_wait3A_542 : memref<2x128xi32, #tpu.memory_space<vmem>>)
        %dma_start3A_546 = arith.constant 5 : i32
        %dma_start3A_547 = arith.constant 1 : i32
        %dma_start3A_548 = arith.constant 2 : i32
        %dma_start3A_549 = arith.constant 0 : i32
        %dma_start3A_550 = arith.constant 0 : i32
        %dma_start3A_551 = tpu.memref_slice %arg6[%dma_start3A_548, %dma_start3A_549, %dma_start3A_550] : memref<3x128x128xf32, #tpu.memory_space<vmem>> -> memref<1x128x128xf32, #tpu.memory_space<vmem>>
        %dma_start3A_552 = tpu.memref_squeeze %dma_start3A_551 : memref<1x128x128xf32, #tpu.memory_space<vmem>> -> memref<128x128xf32, #tpu.memory_space<vmem>>
        %dma_start3A_553 = arith.constant 0 : i32
        %dma_start3A_554 = tpu.memref_slice %arg5[%dma_start3A_546, %dma_start3A_547, %dma_start3A_553] : memref<6x2x128xi32, #tpu.memory_space<vmem>> -> memref<1x1x128xi32, #tpu.memory_space<vmem>>
        %dma_start3A_555 = tpu.memref_squeeze %dma_start3A_554 : memref<1x1x128xi32, #tpu.memory_space<vmem>> -> memref<128xi32, #tpu.memory_space<vmem>>
        %dma_start3A_556 = arith.constant 0 : i32
        %dma_start3A_557 = arith.constant 0 : i32
        %dma_start3A_558 = tpu.memref_slice %arg2[%dma_start3A_556, %dma_start3A_557] : memref<10000x128xf32, #tpu.memory_space<hbm>> -> memref<10000x128xf32, #tpu.memory_space<hbm>>
        tpu.enqueue_indirect_dma source(%dma_start3A_558 : memref<10000x128xf32, #tpu.memory_space<hbm>>) target(%dma_start3A_552 : memref<128x128xf32, #tpu.memory_space<vmem>>) offsets(%dma_start3A_555 : memref<128xi32, #tpu.memory_space<vmem>>) semaphore(%arg10 : memref<!tpu.dma_semaphore, #tpu.memory_space<semaphore_mem>>)
      } else {
      }
      %mul3A_417 = arith.constant 6 : i32
      %mul3A_418 = arith.muli %scan3A_196, %mul3A_417 : i32
      %add3A_419 = arith.constant 4 : i32
      %add3A_420 = arith.addi %mul3A_418, %add3A_419 : i32
      %dma_wait3A_421 = arith.constant 1 : i32
      %dma_wait3A_422 = arith.constant 0 : i32
      %dma_wait3A_423 = arith.constant 0 : i32
      %dma_wait3A_424 = tpu.memref_slice %arg6[%dma_wait3A_421, %dma_wait3A_422, %dma_wait3A_423] : memref<3x128x128xf32, #tpu.memory_space<vmem>> -> memref<1x128x128xf32, #tpu.memory_space<vmem>>
      %dma_wait3A_425 = tpu.memref_squeeze %dma_wait3A_424 : memref<1x128x128xf32, #tpu.memory_space<vmem>> -> memref<128x128xf32, #tpu.memory_space<vmem>>
      %dma_wait3A_426 = arith.constant 0 : i32
      %dma_wait3A_427 = arith.constant 0 : i32
      %dma_wait3A_428 = tpu.memref_slice %arg2[%dma_wait3A_426, %dma_wait3A_427] : memref<10000x128xf32, #tpu.memory_space<hbm>> -> memref<128x128xf32, #tpu.memory_space<hbm>>
      %dma_wait3A_429 = arith.constant 0 : i32
      %dma_wait3A_430 = arith.constant 0 : i32
      %dma_wait3A_431 = tpu.memref_slice %arg6[%dma_wait3A_421, %dma_wait3A_429, %dma_wait3A_430] : memref<3x128x128xf32, #tpu.memory_space<vmem>> -> memref<1x128x128xf32, #tpu.memory_space<vmem>>
      %dma_wait3A_432 = tpu.memref_squeeze %dma_wait3A_431 : memref<1x128x128xf32, #tpu.memory_space<vmem>> -> memref<128x128xf32, #tpu.memory_space<vmem>>
      %dma_wait3A_433 = arith.constant 0 : i32
      %dma_wait3A_434 = arith.constant 0 : i32
      %dma_wait3A_435 = tpu.memref_slice %arg2[%dma_wait3A_433, %dma_wait3A_434] : memref<10000x128xf32, #tpu.memory_space<hbm>> -> memref<128x128xf32, #tpu.memory_space<hbm>>
      tpu.wait_dma2 semaphore(%arg9 : memref<!tpu.dma_semaphore, #tpu.memory_space<semaphore_mem>>) src(%dma_wait3A_435 : memref<128x128xf32, #tpu.memory_space<hbm>>) dst(%dma_wait3A_432 : memref<128x128xf32, #tpu.memory_space<vmem>>)
      %dma_start3A_436 = arith.constant 1 : i32
      %dma_start3A_437 = arith.constant 4 : i32
      %dma_start3A_438 = arith.constant 0 : i32
      %dma_start3A_439 = arith.constant 0 : i32
      %dma_start3A_440 = arith.constant 0 : i32
      %dma_start3A_441 = tpu.memref_slice %arg6[%dma_start3A_436, %dma_start3A_439, %dma_start3A_440] : memref<3x128x128xf32, #tpu.memory_space<vmem>> -> memref<1x128x128xf32, #tpu.memory_space<vmem>>
      %dma_start3A_442 = tpu.memref_squeeze %dma_start3A_441 : memref<1x128x128xf32, #tpu.memory_space<vmem>> -> memref<128x128xf32, #tpu.memory_space<vmem>>
      %dma_start3A_443 = arith.constant 0 : i32
      %dma_start3A_444 = tpu.memref_slice %arg5[%dma_start3A_437, %dma_start3A_438, %dma_start3A_443] : memref<6x2x128xi32, #tpu.memory_space<vmem>> -> memref<1x1x128xi32, #tpu.memory_space<vmem>>
      %dma_start3A_445 = tpu.memref_squeeze %dma_start3A_444 : memref<1x1x128xi32, #tpu.memory_space<vmem>> -> memref<128xi32, #tpu.memory_space<vmem>>
      %dma_start3A_446 = arith.constant 0 : i32
      %dma_start3A_447 = arith.constant 0 : i32
      %dma_start3A_448 = tpu.memref_slice %arg7[%dma_start3A_446, %dma_start3A_447] : memref<10000x128xf32, #tpu.memory_space<vmem_shared>> -> memref<10000x128xf32, #tpu.memory_space<vmem_shared>>
      tpu.enqueue_indirect_dma source(%dma_start3A_442 : memref<128x128xf32, #tpu.memory_space<vmem>>) target(%dma_start3A_448 : memref<10000x128xf32, #tpu.memory_space<vmem_shared>>) offsets(%dma_start3A_445 : memref<128xi32, #tpu.memory_space<vmem>>) semaphore(%arg12 : memref<!tpu.dma_semaphore, #tpu.memory_space<semaphore_mem>>) {add = true}
      %dma_wait3A_449 = arith.constant 0 : i32
      %dma_wait3A_450 = arith.constant 0 : i32
      %dma_wait3A_451 = arith.constant 0 : i32
      %dma_wait3A_452 = arith.constant 0 : i32
      %dma_wait3A_453 = arith.constant 0 : i32
      %dma_wait3A_454 = tpu.memref_slice %arg6[%dma_wait3A_449, %dma_wait3A_452, %dma_wait3A_453] : memref<3x128x128xf32, #tpu.memory_space<vmem>> -> memref<1x128x128xf32, #tpu.memory_space<vmem>>
      %dma_wait3A_455 = tpu.memref_squeeze %dma_wait3A_454 : memref<1x128x128xf32, #tpu.memory_space<vmem>> -> memref<128x128xf32, #tpu.memory_space<vmem>>
      %dma_wait3A_456 = arith.constant 0 : i32
      %dma_wait3A_457 = tpu.memref_slice %arg5[%dma_wait3A_450, %dma_wait3A_451, %dma_wait3A_456] : memref<6x2x128xi32, #tpu.memory_space<vmem>> -> memref<1x1x128xi32, #tpu.memory_space<vmem>>
      %dma_wait3A_458 = tpu.memref_squeeze %dma_wait3A_457 : memref<1x1x128xi32, #tpu.memory_space<vmem>> -> memref<128xi32, #tpu.memory_space<vmem>>
      %dma_wait3A_459 = arith.constant 0 : i32
      %dma_wait3A_460 = arith.constant 0 : i32
      %dma_wait3A_461 = tpu.memref_slice %arg7[%dma_wait3A_459, %dma_wait3A_460] : memref<10000x128xf32, #tpu.memory_space<vmem_shared>> -> memref<10000x128xf32, #tpu.memory_space<vmem_shared>>
      tpu.wait_indirect_dma semaphore(%arg11 : memref<!tpu.dma_semaphore, #tpu.memory_space<semaphore_mem>>) src(%dma_wait3A_455 : memref<128x128xf32, #tpu.memory_space<vmem>>) dst(%dma_wait3A_461 : memref<10000x128xf32, #tpu.memory_space<vmem_shared>>)
      %add3A_462 = arith.constant 4 : i32
      %add3A_463 = arith.addi %add3A_420, %add3A_462 : i32
      %lt3A_464 = arith.cmpi slt, %add3A_463, %add3A_41 : i32
      %convert_element_type3A_465 = arith.extui %lt3A_464 : i1 to i32
      %cond3A_466 = arith.constant 0 : i32
      %cond3A_467 = arith.cmpi ne, %convert_element_type3A_465, %cond3A_466 : i32
      scf.if %cond3A_467 {
        %add3A_531 = arith.constant 4 : i32
        %add3A_532 = arith.addi %add3A_420, %add3A_531 : i32
        %add3A_533 = arith.addi %add3A_36, %add3A_532 : i32
        %mul3A_534 = arith.constant 128 : i32
        %mul3A_535 = arith.muli %add3A_533, %mul3A_534 : i32
        %dma_start3A_536 = arith.constant 2 : i32
        %dma_start3A_537 = arith.constant 0 : i32
        %dma_start3A_538 = arith.constant 0 : i32
        %dma_start3A_539 = tpu.memref_slice %arg5[%dma_start3A_536, %dma_start3A_537, %dma_start3A_538] : memref<6x2x128xi32, #tpu.memory_space<vmem>> -> memref<1x2x128xi32, #tpu.memory_space<vmem>>
        %dma_start3A_540 = tpu.memref_squeeze %dma_start3A_539 : memref<1x2x128xi32, #tpu.memory_space<vmem>> -> memref<2x128xi32, #tpu.memory_space<vmem>>
        %dma_start3A_541 = arith.constant 0 : i32
        %dma_start3A_542 = tpu.memref_slice %arg3[%dma_start3A_541, %mul3A_535] : memref<2x320000xi32, #tpu.memory_space<hbm>> -> memref<2x128xi32, #tpu.memory_space<hbm>>
        %dma_start3A_543 = arith.constant 0 : i32
        %dma_start3A_544 = arith.constant 0 : i32
        %dma_start3A_545 = tpu.memref_slice %arg5[%dma_start3A_536, %dma_start3A_543, %dma_start3A_544] : memref<6x2x128xi32, #tpu.memory_space<vmem>> -> memref<1x2x128xi32, #tpu.memory_space<vmem>>
        %dma_start3A_546 = tpu.memref_squeeze %dma_start3A_545 : memref<1x2x128xi32, #tpu.memory_space<vmem>> -> memref<2x128xi32, #tpu.memory_space<vmem>>
        %dma_start3A_547 = arith.constant 0 : i32
        %dma_start3A_548 = tpu.memref_slice %arg3[%dma_start3A_547, %mul3A_535] : memref<2x320000xi32, #tpu.memory_space<hbm>> -> memref<2x128xi32, #tpu.memory_space<hbm>>
        tpu.enqueue_dma source(%dma_start3A_548 : memref<2x128xi32, #tpu.memory_space<hbm>>) target(%dma_start3A_546 : memref<2x128xi32, #tpu.memory_space<vmem>>) target_semaphore(%arg16 : memref<!tpu.dma_semaphore, #tpu.memory_space<semaphore_mem>>)
      } else {
      }
      %add3A_468 = arith.constant 2 : i32
      %add3A_469 = arith.addi %add3A_420, %add3A_468 : i32
      %lt3A_470 = arith.cmpi slt, %add3A_469, %add3A_41 : i32
      %convert_element_type3A_471 = arith.extui %lt3A_470 : i1 to i32
      %cond3A_472 = arith.constant 0 : i32
      %cond3A_473 = arith.cmpi ne, %convert_element_type3A_471, %cond3A_472 : i32
      scf.if %cond3A_473 {
        %dma_wait3A_531 = arith.constant 0 : i32
        %dma_wait3A_532 = arith.constant 0 : i32
        %dma_wait3A_533 = arith.constant 0 : i32
        %dma_wait3A_534 = tpu.memref_slice %arg5[%dma_wait3A_531, %dma_wait3A_532, %dma_wait3A_533] : memref<6x2x128xi32, #tpu.memory_space<vmem>> -> memref<1x2x128xi32, #tpu.memory_space<vmem>>
        %dma_wait3A_535 = tpu.memref_squeeze %dma_wait3A_534 : memref<1x2x128xi32, #tpu.memory_space<vmem>> -> memref<2x128xi32, #tpu.memory_space<vmem>>
        %dma_wait3A_536 = arith.constant 0 : i32
        %dma_wait3A_537 = arith.constant 0 : i32
        %dma_wait3A_538 = tpu.memref_slice %arg3[%dma_wait3A_536, %dma_wait3A_537] : memref<2x320000xi32, #tpu.memory_space<hbm>> -> memref<2x128xi32, #tpu.memory_space<hbm>>
        %dma_wait3A_539 = arith.constant 0 : i32
        %dma_wait3A_540 = arith.constant 0 : i32
        %dma_wait3A_541 = tpu.memref_slice %arg5[%dma_wait3A_531, %dma_wait3A_539, %dma_wait3A_540] : memref<6x2x128xi32, #tpu.memory_space<vmem>> -> memref<1x2x128xi32, #tpu.memory_space<vmem>>
        %dma_wait3A_542 = tpu.memref_squeeze %dma_wait3A_541 : memref<1x2x128xi32, #tpu.memory_space<vmem>> -> memref<2x128xi32, #tpu.memory_space<vmem>>
        %dma_wait3A_543 = arith.constant 0 : i32
        %dma_wait3A_544 = arith.constant 0 : i32
        %dma_wait3A_545 = tpu.memref_slice %arg3[%dma_wait3A_543, %dma_wait3A_544] : memref<2x320000xi32, #tpu.memory_space<hbm>> -> memref<2x128xi32, #tpu.memory_space<hbm>>
        tpu.wait_dma2 semaphore(%arg14 : memref<!tpu.dma_semaphore, #tpu.memory_space<semaphore_mem>>) src(%dma_wait3A_545 : memref<2x128xi32, #tpu.memory_space<hbm>>) dst(%dma_wait3A_542 : memref<2x128xi32, #tpu.memory_space<vmem>>)
        %dma_start3A_546 = arith.constant 0 : i32
        %dma_start3A_547 = arith.constant 1 : i32
        %dma_start3A_548 = arith.constant 0 : i32
        %dma_start3A_549 = arith.constant 0 : i32
        %dma_start3A_550 = arith.constant 0 : i32
        %dma_start3A_551 = tpu.memref_slice %arg6[%dma_start3A_548, %dma_start3A_549, %dma_start3A_550] : memref<3x128x128xf32, #tpu.memory_space<vmem>> -> memref<1x128x128xf32, #tpu.memory_space<vmem>>
        %dma_start3A_552 = tpu.memref_squeeze %dma_start3A_551 : memref<1x128x128xf32, #tpu.memory_space<vmem>> -> memref<128x128xf32, #tpu.memory_space<vmem>>
        %dma_start3A_553 = arith.constant 0 : i32
        %dma_start3A_554 = tpu.memref_slice %arg5[%dma_start3A_546, %dma_start3A_547, %dma_start3A_553] : memref<6x2x128xi32, #tpu.memory_space<vmem>> -> memref<1x1x128xi32, #tpu.memory_space<vmem>>
        %dma_start3A_555 = tpu.memref_squeeze %dma_start3A_554 : memref<1x1x128xi32, #tpu.memory_space<vmem>> -> memref<128xi32, #tpu.memory_space<vmem>>
        %dma_start3A_556 = arith.constant 0 : i32
        %dma_start3A_557 = arith.constant 0 : i32
        %dma_start3A_558 = tpu.memref_slice %arg2[%dma_start3A_556, %dma_start3A_557] : memref<10000x128xf32, #tpu.memory_space<hbm>> -> memref<10000x128xf32, #tpu.memory_space<hbm>>
        tpu.enqueue_indirect_dma source(%dma_start3A_558 : memref<10000x128xf32, #tpu.memory_space<hbm>>) target(%dma_start3A_552 : memref<128x128xf32, #tpu.memory_space<vmem>>) offsets(%dma_start3A_555 : memref<128xi32, #tpu.memory_space<vmem>>) semaphore(%arg8 : memref<!tpu.dma_semaphore, #tpu.memory_space<semaphore_mem>>)
      } else {
      }
      %mul3A_474 = arith.constant 6 : i32
      %mul3A_475 = arith.muli %scan3A_196, %mul3A_474 : i32
      %add3A_476 = arith.constant 5 : i32
      %add3A_477 = arith.addi %mul3A_475, %add3A_476 : i32
      %dma_wait3A_478 = arith.constant 2 : i32
      %dma_wait3A_479 = arith.constant 0 : i32
      %dma_wait3A_480 = arith.constant 0 : i32
      %dma_wait3A_481 = tpu.memref_slice %arg6[%dma_wait3A_478, %dma_wait3A_479, %dma_wait3A_480] : memref<3x128x128xf32, #tpu.memory_space<vmem>> -> memref<1x128x128xf32, #tpu.memory_space<vmem>>
      %dma_wait3A_482 = tpu.memref_squeeze %dma_wait3A_481 : memref<1x128x128xf32, #tpu.memory_space<vmem>> -> memref<128x128xf32, #tpu.memory_space<vmem>>
      %dma_wait3A_483 = arith.constant 0 : i32
      %dma_wait3A_484 = arith.constant 0 : i32
      %dma_wait3A_485 = tpu.memref_slice %arg2[%dma_wait3A_483, %dma_wait3A_484] : memref<10000x128xf32, #tpu.memory_space<hbm>> -> memref<128x128xf32, #tpu.memory_space<hbm>>
      %dma_wait3A_486 = arith.constant 0 : i32
      %dma_wait3A_487 = arith.constant 0 : i32
      %dma_wait3A_488 = tpu.memref_slice %arg6[%dma_wait3A_478, %dma_wait3A_486, %dma_wait3A_487] : memref<3x128x128xf32, #tpu.memory_space<vmem>> -> memref<1x128x128xf32, #tpu.memory_space<vmem>>
      %dma_wait3A_489 = tpu.memref_squeeze %dma_wait3A_488 : memref<1x128x128xf32, #tpu.memory_space<vmem>> -> memref<128x128xf32, #tpu.memory_space<vmem>>
      %dma_wait3A_490 = arith.constant 0 : i32
      %dma_wait3A_491 = arith.constant 0 : i32
      %dma_wait3A_492 = tpu.memref_slice %arg2[%dma_wait3A_490, %dma_wait3A_491] : memref<10000x128xf32, #tpu.memory_space<hbm>> -> memref<128x128xf32, #tpu.memory_space<hbm>>
      tpu.wait_dma2 semaphore(%arg10 : memref<!tpu.dma_semaphore, #tpu.memory_space<semaphore_mem>>) src(%dma_wait3A_492 : memref<128x128xf32, #tpu.memory_space<hbm>>) dst(%dma_wait3A_489 : memref<128x128xf32, #tpu.memory_space<vmem>>)
      %dma_start3A_493 = arith.constant 2 : i32
      %dma_start3A_494 = arith.constant 5 : i32
      %dma_start3A_495 = arith.constant 0 : i32
      %dma_start3A_496 = arith.constant 0 : i32
      %dma_start3A_497 = arith.constant 0 : i32
      %dma_start3A_498 = tpu.memref_slice %arg6[%dma_start3A_493, %dma_start3A_496, %dma_start3A_497] : memref<3x128x128xf32, #tpu.memory_space<vmem>> -> memref<1x128x128xf32, #tpu.memory_space<vmem>>
      %dma_start3A_499 = tpu.memref_squeeze %dma_start3A_498 : memref<1x128x128xf32, #tpu.memory_space<vmem>> -> memref<128x128xf32, #tpu.memory_space<vmem>>
      %dma_start3A_500 = arith.constant 0 : i32
      %dma_start3A_501 = tpu.memref_slice %arg5[%dma_start3A_494, %dma_start3A_495, %dma_start3A_500] : memref<6x2x128xi32, #tpu.memory_space<vmem>> -> memref<1x1x128xi32, #tpu.memory_space<vmem>>
      %dma_start3A_502 = tpu.memref_squeeze %dma_start3A_501 : memref<1x1x128xi32, #tpu.memory_space<vmem>> -> memref<128xi32, #tpu.memory_space<vmem>>
      %dma_start3A_503 = arith.constant 0 : i32
      %dma_start3A_504 = arith.constant 0 : i32
      %dma_start3A_505 = tpu.memref_slice %arg7[%dma_start3A_503, %dma_start3A_504] : memref<10000x128xf32, #tpu.memory_space<vmem_shared>> -> memref<10000x128xf32, #tpu.memory_space<vmem_shared>>
      tpu.enqueue_indirect_dma source(%dma_start3A_499 : memref<128x128xf32, #tpu.memory_space<vmem>>) target(%dma_start3A_505 : memref<10000x128xf32, #tpu.memory_space<vmem_shared>>) offsets(%dma_start3A_502 : memref<128xi32, #tpu.memory_space<vmem>>) semaphore(%arg13 : memref<!tpu.dma_semaphore, #tpu.memory_space<semaphore_mem>>) {add = true}
      %dma_wait3A_506 = arith.constant 1 : i32
      %dma_wait3A_507 = arith.constant 0 : i32
      %dma_wait3A_508 = arith.constant 0 : i32
      %dma_wait3A_509 = arith.constant 0 : i32
      %dma_wait3A_510 = arith.constant 0 : i32
      %dma_wait3A_511 = tpu.memref_slice %arg6[%dma_wait3A_506, %dma_wait3A_509, %dma_wait3A_510] : memref<3x128x128xf32, #tpu.memory_space<vmem>> -> memref<1x128x128xf32, #tpu.memory_space<vmem>>
      %dma_wait3A_512 = tpu.memref_squeeze %dma_wait3A_511 : memref<1x128x128xf32, #tpu.memory_space<vmem>> -> memref<128x128xf32, #tpu.memory_space<vmem>>
      %dma_wait3A_513 = arith.constant 0 : i32
      %dma_wait3A_514 = tpu.memref_slice %arg5[%dma_wait3A_507, %dma_wait3A_508, %dma_wait3A_513] : memref<6x2x128xi32, #tpu.memory_space<vmem>> -> memref<1x1x128xi32, #tpu.memory_space<vmem>>
      %dma_wait3A_515 = tpu.memref_squeeze %dma_wait3A_514 : memref<1x1x128xi32, #tpu.memory_space<vmem>> -> memref<128xi32, #tpu.memory_space<vmem>>
      %dma_wait3A_516 = arith.constant 0 : i32
      %dma_wait3A_517 = arith.constant 0 : i32
      %dma_wait3A_518 = tpu.memref_slice %arg7[%dma_wait3A_516, %dma_wait3A_517] : memref<10000x128xf32, #tpu.memory_space<vmem_shared>> -> memref<10000x128xf32, #tpu.memory_space<vmem_shared>>
      tpu.wait_indirect_dma semaphore(%arg12 : memref<!tpu.dma_semaphore, #tpu.memory_space<semaphore_mem>>) src(%dma_wait3A_512 : memref<128x128xf32, #tpu.memory_space<vmem>>) dst(%dma_wait3A_518 : memref<10000x128xf32, #tpu.memory_space<vmem_shared>>)
      %add3A_519 = arith.constant 4 : i32
      %add3A_520 = arith.addi %add3A_477, %add3A_519 : i32
      %lt3A_521 = arith.cmpi slt, %add3A_520, %add3A_41 : i32
      %convert_element_type3A_522 = arith.extui %lt3A_521 : i1 to i32
      %cond3A_523 = arith.constant 0 : i32
      %cond3A_524 = arith.cmpi ne, %convert_element_type3A_522, %cond3A_523 : i32
      scf.if %cond3A_524 {
        %add3A_531 = arith.constant 4 : i32
        %add3A_532 = arith.addi %add3A_477, %add3A_531 : i32
        %add3A_533 = arith.addi %add3A_36, %add3A_532 : i32
        %mul3A_534 = arith.constant 128 : i32
        %mul3A_535 = arith.muli %add3A_533, %mul3A_534 : i32
        %dma_start3A_536 = arith.constant 3 : i32
        %dma_start3A_537 = arith.constant 0 : i32
        %dma_start3A_538 = arith.constant 0 : i32
        %dma_start3A_539 = tpu.memref_slice %arg5[%dma_start3A_536, %dma_start3A_537, %dma_start3A_538] : memref<6x2x128xi32, #tpu.memory_space<vmem>> -> memref<1x2x128xi32, #tpu.memory_space<vmem>>
        %dma_start3A_540 = tpu.memref_squeeze %dma_start3A_539 : memref<1x2x128xi32, #tpu.memory_space<vmem>> -> memref<2x128xi32, #tpu.memory_space<vmem>>
        %dma_start3A_541 = arith.constant 0 : i32
        %dma_start3A_542 = tpu.memref_slice %arg3[%dma_start3A_541, %mul3A_535] : memref<2x320000xi32, #tpu.memory_space<hbm>> -> memref<2x128xi32, #tpu.memory_space<hbm>>
        %dma_start3A_543 = arith.constant 0 : i32
        %dma_start3A_544 = arith.constant 0 : i32
        %dma_start3A_545 = tpu.memref_slice %arg5[%dma_start3A_536, %dma_start3A_543, %dma_start3A_544] : memref<6x2x128xi32, #tpu.memory_space<vmem>> -> memref<1x2x128xi32, #tpu.memory_space<vmem>>
        %dma_start3A_546 = tpu.memref_squeeze %dma_start3A_545 : memref<1x2x128xi32, #tpu.memory_space<vmem>> -> memref<2x128xi32, #tpu.memory_space<vmem>>
        %dma_start3A_547 = arith.constant 0 : i32
        %dma_start3A_548 = tpu.memref_slice %arg3[%dma_start3A_547, %mul3A_535] : memref<2x320000xi32, #tpu.memory_space<hbm>> -> memref<2x128xi32, #tpu.memory_space<hbm>>
        tpu.enqueue_dma source(%dma_start3A_548 : memref<2x128xi32, #tpu.memory_space<hbm>>) target(%dma_start3A_546 : memref<2x128xi32, #tpu.memory_space<vmem>>) target_semaphore(%arg17 : memref<!tpu.dma_semaphore, #tpu.memory_space<semaphore_mem>>)
      } else {
      }
      %add3A_525 = arith.constant 2 : i32
      %add3A_526 = arith.addi %add3A_477, %add3A_525 : i32
      %lt3A_527 = arith.cmpi slt, %add3A_526, %add3A_41 : i32
      %convert_element_type3A_528 = arith.extui %lt3A_527 : i1 to i32
      %cond3A_529 = arith.constant 0 : i32
      %cond3A_530 = arith.cmpi ne, %convert_element_type3A_528, %cond3A_529 : i32
      scf.if %cond3A_530 {
        %dma_wait3A_531 = arith.constant 1 : i32
        %dma_wait3A_532 = arith.constant 0 : i32
        %dma_wait3A_533 = arith.constant 0 : i32
        %dma_wait3A_534 = tpu.memref_slice %arg5[%dma_wait3A_531, %dma_wait3A_532, %dma_wait3A_533] : memref<6x2x128xi32, #tpu.memory_space<vmem>> -> memref<1x2x128xi32, #tpu.memory_space<vmem>>
        %dma_wait3A_535 = tpu.memref_squeeze %dma_wait3A_534 : memref<1x2x128xi32, #tpu.memory_space<vmem>> -> memref<2x128xi32, #tpu.memory_space<vmem>>
        %dma_wait3A_536 = arith.constant 0 : i32
        %dma_wait3A_537 = arith.constant 0 : i32
        %dma_wait3A_538 = tpu.memref_slice %arg3[%dma_wait3A_536, %dma_wait3A_537] : memref<2x320000xi32, #tpu.memory_space<hbm>> -> memref<2x128xi32, #tpu.memory_space<hbm>>
        %dma_wait3A_539 = arith.constant 0 : i32
        %dma_wait3A_540 = arith.constant 0 : i32
        %dma_wait3A_541 = tpu.memref_slice %arg5[%dma_wait3A_531, %dma_wait3A_539, %dma_wait3A_540] : memref<6x2x128xi32, #tpu.memory_space<vmem>> -> memref<1x2x128xi32, #tpu.memory_space<vmem>>
        %dma_wait3A_542 = tpu.memref_squeeze %dma_wait3A_541 : memref<1x2x128xi32, #tpu.memory_space<vmem>> -> memref<2x128xi32, #tpu.memory_space<vmem>>
        %dma_wait3A_543 = arith.constant 0 : i32
        %dma_wait3A_544 = arith.constant 0 : i32
        %dma_wait3A_545 = tpu.memref_slice %arg3[%dma_wait3A_543, %dma_wait3A_544] : memref<2x320000xi32, #tpu.memory_space<hbm>> -> memref<2x128xi32, #tpu.memory_space<hbm>>
        tpu.wait_dma2 semaphore(%arg15 : memref<!tpu.dma_semaphore, #tpu.memory_space<semaphore_mem>>) src(%dma_wait3A_545 : memref<2x128xi32, #tpu.memory_space<hbm>>) dst(%dma_wait3A_542 : memref<2x128xi32, #tpu.memory_space<vmem>>)
        %dma_start3A_546 = arith.constant 1 : i32
        %dma_start3A_547 = arith.constant 1 : i32
        %dma_start3A_548 = arith.constant 1 : i32
        %dma_start3A_549 = arith.constant 0 : i32
        %dma_start3A_550 = arith.constant 0 : i32
        %dma_start3A_551 = tpu.memref_slice %arg6[%dma_start3A_548, %dma_start3A_549, %dma_start3A_550] : memref<3x128x128xf32, #tpu.memory_space<vmem>> -> memref<1x128x128xf32, #tpu.memory_space<vmem>>
        %dma_start3A_552 = tpu.memref_squeeze %dma_start3A_551 : memref<1x128x128xf32, #tpu.memory_space<vmem>> -> memref<128x128xf32, #tpu.memory_space<vmem>>
        %dma_start3A_553 = arith.constant 0 : i32
        %dma_start3A_554 = tpu.memref_slice %arg5[%dma_start3A_546, %dma_start3A_547, %dma_start3A_553] : memref<6x2x128xi32, #tpu.memory_space<vmem>> -> memref<1x1x128xi32, #tpu.memory_space<vmem>>
        %dma_start3A_555 = tpu.memref_squeeze %dma_start3A_554 : memref<1x1x128xi32, #tpu.memory_space<vmem>> -> memref<128xi32, #tpu.memory_space<vmem>>
        %dma_start3A_556 = arith.constant 0 : i32
        %dma_start3A_557 = arith.constant 0 : i32
        %dma_start3A_558 = tpu.memref_slice %arg2[%dma_start3A_556, %dma_start3A_557] : memref<10000x128xf32, #tpu.memory_space<hbm>> -> memref<10000x128xf32, #tpu.memory_space<hbm>>
        tpu.enqueue_indirect_dma source(%dma_start3A_558 : memref<10000x128xf32, #tpu.memory_space<hbm>>) target(%dma_start3A_552 : memref<128x128xf32, #tpu.memory_space<vmem>>) offsets(%dma_start3A_555 : memref<128xi32, #tpu.memory_space<vmem>>) semaphore(%arg9 : memref<!tpu.dma_semaphore, #tpu.memory_space<semaphore_mem>>)
      } else {
      }
    }
    %scan3A_169 = arith.constant 13 : i32
    %gt3A = arith.constant 78 : i32
    %gt3A_170 = arith.cmpi sgt, %add3A_41, %gt3A : i32
    %convert_element_type3A_171 = arith.extui %gt3A_170 : i1 to i32
    %cond3A_172 = arith.constant 0 : i32
    %cond3A_173 = arith.cmpi ne, %convert_element_type3A_171, %cond3A_172 : i32
    scf.if %cond3A_173 {
      %dma_wait3A_196 = arith.constant 0 : i32
      %dma_wait3A_197 = arith.constant 0 : i32
      %dma_wait3A_198 = arith.constant 0 : i32
      %dma_wait3A_199 = tpu.memref_slice %arg6[%dma_wait3A_196, %dma_wait3A_197, %dma_wait3A_198] : memref<3x128x128xf32, #tpu.memory_space<vmem>> -> memref<1x128x128xf32, #tpu.memory_space<vmem>>
      %dma_wait3A_200 = tpu.memref_squeeze %dma_wait3A_199 : memref<1x128x128xf32, #tpu.memory_space<vmem>> -> memref<128x128xf32, #tpu.memory_space<vmem>>
      %dma_wait3A_201 = arith.constant 0 : i32
      %dma_wait3A_202 = arith.constant 0 : i32
      %dma_wait3A_203 = tpu.memref_slice %arg2[%dma_wait3A_201, %dma_wait3A_202] : memref<10000x128xf32, #tpu.memory_space<hbm>> -> memref<128x128xf32, #tpu.memory_space<hbm>>
      %dma_wait3A_204 = arith.constant 0 : i32
      %dma_wait3A_205 = arith.constant 0 : i32
      %dma_wait3A_206 = tpu.memref_slice %arg6[%dma_wait3A_196, %dma_wait3A_204, %dma_wait3A_205] : memref<3x128x128xf32, #tpu.memory_space<vmem>> -> memref<1x128x128xf32, #tpu.memory_space<vmem>>
      %dma_wait3A_207 = tpu.memref_squeeze %dma_wait3A_206 : memref<1x128x128xf32, #tpu.memory_space<vmem>> -> memref<128x128xf32, #tpu.memory_space<vmem>>
      %dma_wait3A_208 = arith.constant 0 : i32
      %dma_wait3A_209 = arith.constant 0 : i32
      %dma_wait3A_210 = tpu.memref_slice %arg2[%dma_wait3A_208, %dma_wait3A_209] : memref<10000x128xf32, #tpu.memory_space<hbm>> -> memref<128x128xf32, #tpu.memory_space<hbm>>
      tpu.wait_dma2 semaphore(%arg8 : memref<!tpu.dma_semaphore, #tpu.memory_space<semaphore_mem>>) src(%dma_wait3A_210 : memref<128x128xf32, #tpu.memory_space<hbm>>) dst(%dma_wait3A_207 : memref<128x128xf32, #tpu.memory_space<vmem>>)
      %dma_start3A_211 = arith.constant 0 : i32
      %dma_start3A_212 = arith.constant 0 : i32
      %dma_start3A_213 = arith.constant 0 : i32
      %dma_start3A_214 = arith.constant 0 : i32
      %dma_start3A_215 = arith.constant 0 : i32
      %dma_start3A_216 = tpu.memref_slice %arg6[%dma_start3A_211, %dma_start3A_214, %dma_start3A_215] : memref<3x128x128xf32, #tpu.memory_space<vmem>> -> memref<1x128x128xf32, #tpu.memory_space<vmem>>
      %dma_start3A_217 = tpu.memref_squeeze %dma_start3A_216 : memref<1x128x128xf32, #tpu.memory_space<vmem>> -> memref<128x128xf32, #tpu.memory_space<vmem>>
      %dma_start3A_218 = arith.constant 0 : i32
      %dma_start3A_219 = tpu.memref_slice %arg5[%dma_start3A_212, %dma_start3A_213, %dma_start3A_218] : memref<6x2x128xi32, #tpu.memory_space<vmem>> -> memref<1x1x128xi32, #tpu.memory_space<vmem>>
      %dma_start3A_220 = tpu.memref_squeeze %dma_start3A_219 : memref<1x1x128xi32, #tpu.memory_space<vmem>> -> memref<128xi32, #tpu.memory_space<vmem>>
      %dma_start3A_221 = arith.constant 0 : i32
      %dma_start3A_222 = arith.constant 0 : i32
      %dma_start3A_223 = tpu.memref_slice %arg7[%dma_start3A_221, %dma_start3A_222] : memref<10000x128xf32, #tpu.memory_space<vmem_shared>> -> memref<10000x128xf32, #tpu.memory_space<vmem_shared>>
      tpu.enqueue_indirect_dma source(%dma_start3A_217 : memref<128x128xf32, #tpu.memory_space<vmem>>) target(%dma_start3A_223 : memref<10000x128xf32, #tpu.memory_space<vmem_shared>>) offsets(%dma_start3A_220 : memref<128xi32, #tpu.memory_space<vmem>>) semaphore(%arg11 : memref<!tpu.dma_semaphore, #tpu.memory_space<semaphore_mem>>) {add = true}
    } else {
    }
    %dma_wait3A_174 = arith.constant 2 : i32
    %dma_wait3A_175 = arith.constant 0 : i32
    %dma_wait3A_176 = arith.constant 0 : i32
    %dma_wait3A_177 = arith.constant 0 : i32
    %dma_wait3A_178 = arith.constant 0 : i32
    %dma_wait3A_179 = tpu.memref_slice %arg6[%dma_wait3A_174, %dma_wait3A_177, %dma_wait3A_178] : memref<3x128x128xf32, #tpu.memory_space<vmem>> -> memref<1x128x128xf32, #tpu.memory_space<vmem>>
    %dma_wait3A_180 = tpu.memref_squeeze %dma_wait3A_179 : memref<1x128x128xf32, #tpu.memory_space<vmem>> -> memref<128x128xf32, #tpu.memory_space<vmem>>
    %dma_wait3A_181 = arith.constant 0 : i32
    %dma_wait3A_182 = tpu.memref_slice %arg5[%dma_wait3A_175, %dma_wait3A_176, %dma_wait3A_181] : memref<6x2x128xi32, #tpu.memory_space<vmem>> -> memref<1x1x128xi32, #tpu.memory_space<vmem>>
    %dma_wait3A_183 = tpu.memref_squeeze %dma_wait3A_182 : memref<1x1x128xi32, #tpu.memory_space<vmem>> -> memref<128xi32, #tpu.memory_space<vmem>>
    %dma_wait3A_184 = arith.constant 0 : i32
    %dma_wait3A_185 = arith.constant 0 : i32
    %dma_wait3A_186 = tpu.memref_slice %arg7[%dma_wait3A_184, %dma_wait3A_185] : memref<10000x128xf32, #tpu.memory_space<vmem_shared>> -> memref<10000x128xf32, #tpu.memory_space<vmem_shared>>
    tpu.wait_indirect_dma semaphore(%arg13 : memref<!tpu.dma_semaphore, #tpu.memory_space<semaphore_mem>>) src(%dma_wait3A_180 : memref<128x128xf32, #tpu.memory_space<vmem>>) dst(%dma_wait3A_186 : memref<10000x128xf32, #tpu.memory_space<vmem_shared>>)
    %gt3A_187 = arith.constant 78 : i32
    %gt3A_188 = arith.cmpi sgt, %add3A_41, %gt3A_187 : i32
    %convert_element_type3A_189 = arith.extui %gt3A_188 : i1 to i32
    %cond3A_190 = arith.constant 0 : i32
    %cond3A_191 = arith.cmpi ne, %convert_element_type3A_189, %cond3A_190 : i32
    scf.if %cond3A_191 {
      %dma_wait3A_196 = arith.constant 0 : i32
      %dma_wait3A_197 = arith.constant 0 : i32
      %dma_wait3A_198 = arith.constant 0 : i32
      %dma_wait3A_199 = arith.constant 0 : i32
      %dma_wait3A_200 = arith.constant 0 : i32
      %dma_wait3A_201 = tpu.memref_slice %arg6[%dma_wait3A_196, %dma_wait3A_199, %dma_wait3A_200] : memref<3x128x128xf32, #tpu.memory_space<vmem>> -> memref<1x128x128xf32, #tpu.memory_space<vmem>>
      %dma_wait3A_202 = tpu.memref_squeeze %dma_wait3A_201 : memref<1x128x128xf32, #tpu.memory_space<vmem>> -> memref<128x128xf32, #tpu.memory_space<vmem>>
      %dma_wait3A_203 = arith.constant 0 : i32
      %dma_wait3A_204 = tpu.memref_slice %arg5[%dma_wait3A_197, %dma_wait3A_198, %dma_wait3A_203] : memref<6x2x128xi32, #tpu.memory_space<vmem>> -> memref<1x1x128xi32, #tpu.memory_space<vmem>>
      %dma_wait3A_205 = tpu.memref_squeeze %dma_wait3A_204 : memref<1x1x128xi32, #tpu.memory_space<vmem>> -> memref<128xi32, #tpu.memory_space<vmem>>
      %dma_wait3A_206 = arith.constant 0 : i32
      %dma_wait3A_207 = arith.constant 0 : i32
      %dma_wait3A_208 = tpu.memref_slice %arg7[%dma_wait3A_206, %dma_wait3A_207] : memref<10000x128xf32, #tpu.memory_space<vmem_shared>> -> memref<10000x128xf32, #tpu.memory_space<vmem_shared>>
      tpu.wait_indirect_dma semaphore(%arg11 : memref<!tpu.dma_semaphore, #tpu.memory_space<semaphore_mem>>) src(%dma_wait3A_202 : memref<128x128xf32, #tpu.memory_space<vmem>>) dst(%dma_wait3A_208 : memref<10000x128xf32, #tpu.memory_space<vmem_shared>>)
    } else {
    }
    %barrier3A_192 = arith.constant 0 : index
    tpu.barrier barrier_id(%barrier3A_192)
    "tpu.region"() ({
      %run_scoped3A_196 = tpu.sem_alloc : memref<!tpu.dma_semaphore, #tpu.memory_space<semaphore_mem>>
      %dma_start3A_197 = arith.constant 0 : i32
      %dma_start3A_198 = tpu.memref_slice %arg4[%arg0, %mul3A_12, %dma_start3A_197] : memref<2x10000x128xf32, #tpu.memory_space<hbm>> -> memref<1x624x128xf32, #tpu.memory_space<hbm>>
      %dma_start3A_199 = tpu.memref_squeeze %dma_start3A_198 : memref<1x624x128xf32, #tpu.memory_space<hbm>> -> memref<624x128xf32, #tpu.memory_space<hbm>>
      %dma_start3A_200 = arith.constant 0 : i32
      %dma_start3A_201 = tpu.memref_slice %arg7[%mul3A_12, %dma_start3A_200] : memref<10000x128xf32, #tpu.memory_space<vmem_shared>> -> memref<624x128xf32, #tpu.memory_space<vmem_shared>>
      tpu.enqueue_dma source(%dma_start3A_201 : memref<624x128xf32, #tpu.memory_space<vmem_shared>>) target(%dma_start3A_199 : memref<624x128xf32, #tpu.memory_space<hbm>>) target_semaphore(%run_scoped3A_196 : memref<!tpu.dma_semaphore, #tpu.memory_space<semaphore_mem>>)
      %dma_wait3A_202 = arith.constant 0 : i32
      %dma_wait3A_203 = tpu.memref_slice %arg4[%arg0, %mul3A_12, %dma_wait3A_202] : memref<2x10000x128xf32, #tpu.memory_space<hbm>> -> memref<1x624x128xf32, #tpu.memory_space<hbm>>
      %dma_wait3A_204 = tpu.memref_squeeze %dma_wait3A_203 : memref<1x624x128xf32, #tpu.memory_space<hbm>> -> memref<624x128xf32, #tpu.memory_space<hbm>>
      %dma_wait3A_205 = arith.constant 0 : i32
      %dma_wait3A_206 = tpu.memref_slice %arg7[%mul3A_12, %dma_wait3A_205] : memref<10000x128xf32, #tpu.memory_space<vmem_shared>> -> memref<624x128xf32, #tpu.memory_space<vmem_shared>>
      tpu.wait_dma2 semaphore(%run_scoped3A_196 : memref<!tpu.dma_semaphore, #tpu.memory_space<semaphore_mem>>) src(%dma_wait3A_206 : memref<624x128xf32, #tpu.memory_space<vmem_shared>>) dst(%dma_wait3A_204 : memref<624x128xf32, #tpu.memory_space<hbm>>)
      tpu.yield
    }) : () -> ()
    %convert_element_type3A_193 = arith.extui %lt3A_13 : i1 to i32
    %cond3A_194 = arith.constant 0 : i32
    %cond3A_195 = arith.cmpi ne, %convert_element_type3A_193, %cond3A_194 : i32
    scf.if %cond3A_195 {
      %add3A_196 = arith.constant 624 : i32
      %add3A_197 = arith.addi %mul3A_12, %add3A_196 : i32
      %add3A_198 = arith.constant 624 : i32
      %add3A_199 = arith.addi %mul3A_12, %add3A_198 : i32
      "tpu.region"() ({
        %run_scoped3A_200 = tpu.sem_alloc : memref<!tpu.dma_semaphore, #tpu.memory_space<semaphore_mem>>
        %dma_start3A_201 = arith.constant 0 : i32
        %dma_start3A_202 = tpu.memref_slice %arg4[%arg0, %add3A_199, %dma_start3A_201] : memref<2x10000x128xf32, #tpu.memory_space<hbm>> -> memref<1x8x128xf32, #tpu.memory_space<hbm>>
        %dma_start3A_203 = tpu.memref_squeeze %dma_start3A_202 : memref<1x8x128xf32, #tpu.memory_space<hbm>> -> memref<8x128xf32, #tpu.memory_space<hbm>>
        %dma_start3A_204 = arith.constant 0 : i32
        %dma_start3A_205 = tpu.memref_slice %arg7[%add3A_197, %dma_start3A_204] : memref<10000x128xf32, #tpu.memory_space<vmem_shared>> -> memref<8x128xf32, #tpu.memory_space<vmem_shared>>
        tpu.enqueue_dma source(%dma_start3A_205 : memref<8x128xf32, #tpu.memory_space<vmem_shared>>) target(%dma_start3A_203 : memref<8x128xf32, #tpu.memory_space<hbm>>) target_semaphore(%run_scoped3A_200 : memref<!tpu.dma_semaphore, #tpu.memory_space<semaphore_mem>>)
        %dma_wait3A_206 = arith.constant 0 : i32
        %dma_wait3A_207 = tpu.memref_slice %arg4[%arg0, %add3A_199, %dma_wait3A_206] : memref<2x10000x128xf32, #tpu.memory_space<hbm>> -> memref<1x8x128xf32, #tpu.memory_space<hbm>>
        %dma_wait3A_208 = tpu.memref_squeeze %dma_wait3A_207 : memref<1x8x128xf32, #tpu.memory_space<hbm>> -> memref<8x128xf32, #tpu.memory_space<hbm>>
        %dma_wait3A_209 = arith.constant 0 : i32
        %dma_wait3A_210 = tpu.memref_slice %arg7[%add3A_197, %dma_wait3A_209] : memref<10000x128xf32, #tpu.memory_space<vmem_shared>> -> memref<8x128xf32, #tpu.memory_space<vmem_shared>>
        tpu.wait_dma2 semaphore(%run_scoped3A_200 : memref<!tpu.dma_semaphore, #tpu.memory_space<semaphore_mem>>) src(%dma_wait3A_210 : memref<8x128xf32, #tpu.memory_space<vmem_shared>>) dst(%dma_wait3A_208 : memref<8x128xf32, #tpu.memory_space<hbm>>)
        tpu.yield
      }) : () -> ()
    } else {
    }
    return
  }
}

module attributes {stable_mosaic.version = 14 : i64} {
  func.func @_combine_body(%arg0: i32, %arg1: memref<2x2000x128xf32, #tpu.memory_space<vmem>>, %arg2: memref<2000x128xf32, #tpu.memory_space<vmem>>) attributes {dimension_semantics = [#tpu.dimension_semantics<arbitrary>], iteration_bounds = array<i64: 5>, scalar_prefetch = 0 : i64, scratch_operands = 0 : i64, tpu.core_type = #tpu.core_type<tc>, window_params = [{transform_indices = @transform_0, window_bounds = array<i64: 2, 2000, 128>}, {transform_indices = @transform_1, window_bounds = array<i64: 2000, 128>}]} {
    %get3A = arith.constant 0 : index
    %get3A_0 = arith.constant 0 : index
    %get3A_1 = arith.constant 0 : index
    %get3A_2 = vector.load %arg1[%get3A, %get3A_0, %get3A_1] : memref<2x2000x128xf32, #tpu.memory_space<vmem>>, vector<1x2000x128xf32>
    %get3A_3 = vector.shape_cast %get3A_2 : vector<1x2000x128xf32> to vector<2000x128xf32>
    %get3A_4 = arith.constant 1 : index
    %get3A_5 = arith.constant 0 : index
    %get3A_6 = arith.constant 0 : index
    %get3A_7 = vector.load %arg1[%get3A_4, %get3A_5, %get3A_6] : memref<2x2000x128xf32, #tpu.memory_space<vmem>>, vector<1x2000x128xf32>
    %get3A_8 = vector.shape_cast %get3A_7 : vector<1x2000x128xf32> to vector<2000x128xf32>
    %add3A = arith.addf %get3A_3, %get3A_8 : vector<2000x128xf32>
    %swap3A = arith.constant 0 : index
    %swap3A_9 = arith.constant 0 : index
    %swap3A_10 = vector.load %arg2[%swap3A, %swap3A_9] : memref<2000x128xf32, #tpu.memory_space<vmem>>, vector<2000x128xf32>
    tpu.vector_store %arg2[%swap3A, %swap3A_9], %add3A {strides = array<i32>} : memref<2000x128xf32, #tpu.memory_space<vmem>>, vector<2000x128xf32>,
    return
  }
  func.func @transform_0(%arg0: i32) -> (i32, i32, i32) {
    %c0_i32 = arith.constant 0 : i32
    %c0_i32_0 = arith.constant 0 : i32
    %c0_i32_1 = arith.constant 0 : i32
    return %c0_i32, %arg0, %c0_i32_0 : i32, i32, i32
  }
  func.func @transform_1(%arg0: i32) -> (i32, i32) {
    %c0_i32 = arith.constant 0 : i32
    %c0_i32_0 = arith.constant 0 : i32
    return %arg0, %c0_i32 : i32, i32
  }
}

</mosaic_0001>

<sc_bundles>
// kernel: kernel.4.cloned.1.call-start
scs
__scs_entry_jumppad:
0x0: {  	(pc) =	sbr.rel $0x88, $3  }
0x1: {  	(tag) =	ssettag $0x0;
	lr =	simm.s32 $0x1  }
0x2: {  	[smem:$0x3F9F] =	sst lr;
	_ =	strace $0xD0000000  }
0x3: {  	_ = 	snop  }
0x4: {  	_ = 	snop  }
0x5: {  	_ = 	snop  }
0x6: {  	_ = 	snop  }
0x7: {  	_ = 	snop  }
__scs_overlays_trampoline_lowered:
0x8: {  	[smem:$0x3FAE] =	sst s0  }
0x9: {  	[smem:$0x3FAF] =	sst s1  }
0xa: {  	[smem:$0x3FB0] =	sst s2  }
0xb: {  	[smem:$0x3FB1] =	sst s3  }
0xc: {  	[smem:$0x3FB2] =	sst s4  }
0xd: {  	[smem:$0x3FB3] =	sst s5  }
0xe: {  	[smem:$0x3FB4] =	sst s6  }
0xf: {  	[smem:$0x3FB5] =	sst s7  }
0x10: {  	[smem:$0x3FB6] =	sst s8  }
0x11: {  	[smem:$0x3FB7] =	sst s9;
	s0 =	simm.s32 @!p0 $0x0  }
0x12: {  	s1 =	sld [smem:$0x3F9D];
	s0 =	simm.s32 @p0 $0x1  }
0x13: {  	[smem:$0x3FB8] =	sst s0;
	s0 =	simm.s32 @!p1 $0x0  }
0x14: {  	s2 =	sld [smem:$0x3F9C];
	s0 =	simm.s32 @p1 $0x1  }
0x15: {  	[smem:$0x3FB9] =	sst s0;
	s0 =	simm.s32 @!p2 $0x0  }
0x16: {  	s3 =	sld [smem:$0x3FDB];
	s0 =	simm.s32 @p2 $0x1  }
0x17: {  	s4 =	simm.s32 $0x1BF5;
	[smem:$0x3FBB] =	sst s0  }
0x18: {  	s0 =	sld [smem:$0x3F9E];
	_ =	swait.ge [sflag:s4], $0x0  }
0x19: {  	s7 =	sld [smem:$0x3F9F]  }
0x1a: {  	s8 =	sadd.s32 $0xFFFFE003, lr  }
0x1b: {  	s9 =	sadd.s32 $0xFFFFFEF7, lr;
	s5 =	simm.s32 $0xFFFFFFFF;
	p2 =	slt.u32 s8, $0xFFFFF086  }
0x1c: {  	p1 =	slt.u32 s9, $0xF7A;
	s5 =	simm.s32 @!p2 $0x0  }
0x1d: {  	s5 =	simm.s32 @p1 $0x1;
	p0 =	seq.s32 s7, s2  }
0x1e: {  	s7 =	smul.u32 @!p0 $0xF7A, s2;
	p2 =	seq.s32 @!p0 s5, $0x0  }
0x1f: {  	s9 =	smul.u32 $0xF7A, s1;
	s8 =	simm.s32 @!p0 $0x1BF5;
	p2 =	por !p2, p0  }
0x20: {  	[sflag:s8] =	ssyncset.s32 @!p0 $0xFFFFF086;
	s6 =	sadd.s32 @!p0 s3, s7;
	s7 =	simm.s32 @!p0 $0x108  }
0x21: {  	s3 =	sadd.s32 s3, s9;
	s6 =	sadd.s32 @!p0 $0x88, s6;
	s7 =	simm.s32 @p2 $0x1082  }
0x22: {  	[simem:s7], [sflag:s8] =	dma.local @!p0 [hbm:s6], $0xF7A  }
0x23: {  	s9 =	sor.u32 $0xD0000000, s2;
	s6 =	simm.s32 $0x108;
	_ =	swait.ge @!p0 [sflag:s8], $0x0  }
0x24: {  	s3 =	sadd.s32 $0x88, s3;
	s6 =	simm.s32 @!p1 $0x1082;
	[sflag:s4] =	ssyncset.s32 $0xFFFFF086  }
0x25: {  	[simem:s6], [sflag:s4] =	dma.local [hbm:s3], $0xF7A  }
0x26: {  	[smem:$0x3F9F] =	sst s1;
	(tag) =	ssettag s2;
	_ =	strace s9  }
0x27: {  	s1 =	sld [smem:$0x3FAF]  }
0x28: {  	s2 =	sld [smem:$0x3FB0]  }
0x29: {  	s4 =	sld [smem:$0x3FB2]  }
0x2a: {  	p0 =	seq.s32 s5, $0x0;
	s5 =	sld [smem:$0x3FB3]  }
0x2b: {  	s6 =	sld [smem:$0x3FB4]  }
0x2c: {  	s7 =	sld [smem:$0x3FB5]  }
0x2d: {  	s3 =	simm.s32 $0x108;
	s8 =	sld [smem:$0x3FB6]  }
0x2e: {  	s3 =	simm.s32 @!p0 $0x1082;
	s9 =	sld [smem:$0x3FB7]  }
0x2f: {  	lr =	sadd.s32 s0, s3;
	s0 =	sld [smem:$0x3FAE]  }
0x30: {  	s3 =	sld [smem:$0x3FB1]  }
0x31: {  	[smem:$0x3FBA] =	sst s10  }
0x32: {  	s10 =	sld [smem:$0x3FB8];
	_ =	sdelay $0x3  }
0x33: {  	p0 =	seq.s32 s10, $0x1;
	s10 =	sld [smem:$0x3FBA];
	_ =	sdelay $0x3  }
0x34: {  	[smem:$0x3FBA] =	sst s10  }
0x35: {  	s10 =	sld [smem:$0x3FB9];
	_ =	sdelay $0x3  }
0x36: {  	p1 =	seq.s32 s10, $0x1;
	s10 =	sld [smem:$0x3FBA];
	_ =	sdelay $0x3  }
0x37: {  	[smem:$0x3FBA] =	sst s10  }
0x38: {  	s10 =	sld [smem:$0x3FBB]  }
0x39: {  	_ = 	snop;
	(pc) =	sbr.ind lr, $3  }
0x3a: {  	_ = 	snop  }
0x3b: {  	_ = 	snop  }
0x3c: {  	p2 =	seq.s32 s10, $0x1;
	s10 =	sld [smem:$0x3FBA]  }
0x3d: {  	_ =	shalt  }
0x3e: {  	_ =	shalt  }
0x3f: {  	_ =	shalt  }
0x40: {  	_ =	shalt  }
0x41: {  	_ =	shalt  }
0x42: {  	_ =	shalt  }
0x43: {  	_ =	shalt  }
0x44: {  	_ =	shalt  }
0x45: {  	_ =	shalt  }
0x46: {  	_ =	shalt  }
0x47: {  	_ =	shalt  }
0x48: {  	_ =	shalt  }
0x49: {  	_ =	shalt  }
0x4a: {  	_ =	shalt  }
0x4b: {  	_ =	shalt  }
0x4c: {  	_ =	shalt  }
0x4d: {  	_ =	shalt  }
0x4e: {  	_ =	shalt  }
0x4f: {  	_ =	shalt  }
0x50: {  	_ =	shalt  }
0x51: {  	_ =	shalt  }
0x52: {  	_ =	shalt  }
0x53: {  	_ =	shalt  }
0x54: {  	_ =	shalt  }
0x55: {  	_ =	shalt  }
0x56: {  	_ =	shalt  }
0x57: {  	_ =	shalt  }
0x58: {  	_ =	shalt  }
0x59: {  	_ =	shalt  }
0x5a: {  	_ =	shalt  }
0x5b: {  	_ =	shalt  }
0x5c: {  	_ =	shalt  }
0x5d: {  	_ =	shalt  }
0x5e: {  	_ =	shalt  }
0x5f: {  	_ =	shalt  }
0x60: {  	_ =	shalt  }
0x61: {  	_ =	shalt  }
0x62: {  	_ =	shalt  }
0x63: {  	_ =	shalt  }
0x64: {  	_ =	shalt  }
0x65: {  	_ =	shalt  }
0x66: {  	_ =	shalt  }
0x67: {  	_ =	shalt  }
0x68: {  	_ =	shalt  }
0x69: {  	_ =	shalt  }
0x6a: {  	_ =	shalt  }
0x6b: {  	_ =	shalt  }
0x6c: {  	_ =	shalt  }
0x6d: {  	_ =	shalt  }
0x6e: {  	_ =	shalt  }
0x6f: {  	_ =	shalt  }
0x70: {  	_ =	shalt  }
0x71: {  	_ =	shalt  }
0x72: {  	_ =	shalt  }
0x73: {  	_ =	shalt  }
0x74: {  	_ =	shalt  }
0x75: {  	_ =	shalt  }
0x76: {  	_ =	shalt  }
0x77: {  	_ =	shalt  }
0x78: {  	_ =	shalt  }
0x79: {  	_ =	shalt  }
0x7a: {  	_ =	shalt  }
0x7b: {  	_ =	shalt  }
0x7c: {  	_ =	shalt  }
0x7d: {  	_ =	shalt  }
0x7e: {  	_ =	shalt  }
0x7f: {  	_ =	shalt  }
0x80: {  	_ =	shalt  }
0x81: {  	_ =	shalt  }
0x82: {  	_ =	shalt  }
0x83: {  	_ =	shalt  }
0x84: {  	_ =	shalt  }
0x85: {  	_ =	shalt  }
0x86: {  	_ =	shalt  }
0x87: {  	_ =	shalt  }
.Lfunc_end0:
.L_simem_size_0:
called_computation_lowered:
.L_overlay_start_0:
0x88: {  	s2 =	sld [smem:$0x3FD9]  }
0x89: {  	s3 =	sld [smem:$0x3FFE];
	_ =	sdelay $0x1  }
0x8a: {  	s1 =	srdreg.scid  }
0x8b: {  	s0 =	sand.u32 $0x1, s1  }
0x8c: {  	s17 =	sshll.u32 s0, $0xA;
	s2 =	sadd.s32 s3, s2  }
0x8d: {  	s2 =	sadd.s32 s2, s17  }
0x8e: {  	[smem:$0x3FC6] =	sst s2  }
0x8f: {  	_ = 	snop  }
0x90: {  	s2 =	sld [smem:$0x3FC9]  }
0x91: {  	s18 =	sld [smem:$0x3FC8];
	(tm) =	ssettm $0x1  }
0x92: {  	s4 =	sld [smem:$0x3FFB];
	_ =	sdelay $0x3  }
0x93: {  	_ =	strace s4  }
0x94: {  	s4 =	sld [smem:$0x3FFC];
	_ =	sdelay $0x3  }
0x95: {  	_ =	strace s4  }
0x96: {  	s4 =	sld [smem:$0x3FFD];
	_ =	sdelay $0x3  }
0x97: {  	_ =	strace s4  }
0x98: {  	_ =	strace $0x8FFFFFFF  }
0x99: {  	s19 =	sld [smem:$0x3FDB];
	_ =	sdelay $0x1  }
0x9a: {  	s5 =	simm.s32 $_scs_section_size  }
0x9b: {  	s6 =	simm.s32 $_size__tile_overlayer_lowered;
	s7 =	simm.s32 $_tile_overlayer_lowered  }
0x9c: {  	s22 =	simm.s32 $0x1BFF;
	s21 =	sshll.u32 s7, $0x1;
	s4 =	sadd.s32 s5, s19  }
0x9d: {  	s8 =	simm.s32 $0x0;
	s20 =	sshll.u32 s6, $0x1;
	s6 =	sadd.s32 s21, s4  }
0x9e: {  	[timem:s8], [sflag:s22] =	dma.local [hbm:s6], s20  }
0x9f: {  	_ =	swait.ge [sflag:s22], s20  }
0xa0: {  	s5 =	ssub.s32 $0x0, s20;
	[sflag:s22] =	ssyncset.done $0x0  }
0xa1: {  	[sflag:s22] =	ssyncadd.s32 s5;
	_ =	sdelay $0x1  }
0xa2: {  	s23 =	simm.s32 $0x1B8B  }
0xa3: {  	_ =	swait.ge [sflag:s23], $0x1  }
0xa4: {  	[sflag:s23] =	ssyncset.done $0x0  }
0xa5: {  	s25 =	simm.s32 $0x1B8E;
	s24 =	sld [smem:$0x3FFE];
	[sflag:s23] =	ssyncadd.s32 $0xFFFFFFFF  }
0xa6: {  	s26 =	simm.s32 $execute0_lowered;
	[smem:$0x3FD2] =	sst s25  }
0xa7: {  	s6 =	sshll.u32 s26, $0x1;
	_ =	strace $0x80000046;
	[dreg:$0x1] =	wrdreg $0xFFFFFFFF  }
0xa8: {  	s28 =	simm.s32 $_size_execute0_lowered;
	s4 =	sadd.s32 s4, s6;
	[dreg:$0x0] =	wrdreg $0x0  }
0xa9: {  	s6 =	sshll.u32 s28, $0x1;
	[dreg:$0x2] =	wrdreg s4  }
0xaa: {  	[dreg:$0x3] =	wrdreg s6  }
0xab: {  	[dreg:$0x4] =	wrdreg $0xC0  }
0xac: {  	_ =	task [dreg:s8], $0x5FFFF  }
0xad: {  	[dreg:$0x1] =	wrdreg $0xFFFFFFFF  }
0xae: {  	[dreg:$0x0] =	wrdreg $0x60  }
0xaf: {  	[dreg:$0x2] =	wrdreg s2  }
0xb0: {  	[dreg:$0x3] =	wrdreg s18  }
0xb1: {  	[dreg:$0x4] =	wrdreg s24  }
0xb2: {  	[dreg:$0x5] =	wrdreg $0xC6000  }
0xb3: {  	[dreg:$0x6] =	wrdreg $0x9  }
0xb4: {  	_ =	task.clear_ibuf [dreg:s8], $0x7FFFF;
	_ =	strace $0x90000046  }
0xb5: {  	s29 =	simm.s32 $0x9;
	_ =	strace $0x80000048  }
0xb6: {  	_ =	swait.ge [sflag:s29], $0x1  }
0xb7: {  	[sflag:s29] =	ssyncadd.s32 $0xFFFFFFFF  }
0xb8: {  	_ =	strace $0x90000048  }
0xb9: {  	_ =	sfence  }
0xba: {  	s30 =	sld [smem:$0x0];
	_ =	sdelay $0x2  }
0xbb: {  	s31 =	sshll.u32 s1, $0xD;
	s1 =	sshrl.u32 s1, $0x2  }
0xbc: {  	s3 =	sand.u32 $0x4000, s31;
	s1 =	sadd.s32 s1, s30  }
0xbd: {  	s0 =	sor.u32 s3, s0;
	s1 =	sshll.u32 s1, $0x11  }
0xbe: {  	s0 =	sor.u32 s1, s0  }
0xbf: {  	s0 =	sadd.s32 $0x8F2B, s0  }
0xc0: {  	[sflag:s0] =	ssyncadd.remote.s32 $0x1  }
0xc1: {  	_ =	sfence.sel $0xFFFF  }
0xc2: {  	[dreg:$0x0] =	wrdreg $0xFFFFFFFF;
	(pc) =	sbr.abs _section_cstart, $3  }
0xc3: {  	[dreg:$0x1] =	wrdreg $0xFFFFFFFF  }
0xc4: {  	_ =	task.clear_ibuf [dreg:s8], $0x2FFFF;
	_ =	strace $0x9FFFFFFF  }
0xc5: {  	(tm) =	ssettm $0x7FFFFFFF  }
tec
execute0_lowered:
.L_overlay_start_1:
0x0: {  	(tag) =	ssettag $0x1  }
0x1: {  	s1 =	rddreg [dreg:$0x0]  }
0x2: {  	s0 =	rddreg [dreg:$0x1]  }
0x3: {  	s2 =	rddreg [dreg:$0x2]  }
0x4: {  	s3 =	rddreg [dreg:$0x3]  }
0x5: {  	s4 =	simm.s32 $0x0;
	s12 =	stileid.u32;
	s5 =	srdreg.scid  }
0x6: {  	s30 =	simm.s32 $0x4600;
	s31 =	simm.s32 $0x1;
	s29 =	simm.s32 $0x9  }
0x7: {  	[smem:$0x7FF] =	sst s4;
	s6 =	smul.u32 $0x4E, s12;
	s2 =	sadd.s32 $0x600, s2  }
0x8: {  	s5 =	sand.u32 $0x1, s5;
	s7 =	smin.u32 s12, $0x2;
	s9 =	sshll.u32 s12, $0x1  }
0x9: {  	s21 =	smul.u32 $0x9C, s12;
	p0 =	sgt.u32 s12, $0x1;
	s6 =	sadd.s32 s7, s6  }
0xa: {  	_ =	strace $0x80000047;
	s8 =	ssub.s32 $0x2, s5;
	s6 =	sshll.u32 s6, $0xA  }
0xb: {  	s9 =	sor.u32 s5, s9;
	s22 =	smul.u32 $0x4E, s5;
	s24 =	sadd.s32 s6, s3  }
0xc: {  	s5 =	smul.u32 $0x138800, s5;
	s10 =	sadd.s32 $0x3C00, s24;
	[dreg:$0xf] =	wrdreg s24  }
0xd: {  	s18 =	sshrl.u32 s8, $0x1;
	s20 =	sadd.s32 $0x7800, s24;
	[dreg:$0x10] =	wrdreg s10  }
0xe: {  	s19 =	smul.u32 $0x4E, s9;
	s11 =	sadd.s32 $0xB400, s24;
	[dreg:$0x11] =	wrdreg s20  }
0xf: {  	s9 =	smin.u32 s9, $0x4;
	s13 =	sadd.s32 $0xF000, s24;
	[dreg:$0x12] =	wrdreg s11  }
0x10: {  	s7 =	ssub.s32 s8, s18;
	s23 =	sadd.s32 $0x12C00, s24;
	[dreg:$0x13] =	wrdreg s13  }
0x11: {  	s8 =	sadd.s32 s9, s19;
	s25 =	sadd.s32 $0x13800, s24;
	[dreg:$0x14] =	wrdreg s23  }
0x12: {  	s8 =	sshll.u32 s8, $0x5;
	s10 =	sadd.s32 s22, s21;
	[dreg:$0x15] =	wrdreg s25  }
0x13: {  	s26 =	sadd.s32 s0, s8;
	s13 =	sadd.s32 s5, s6;
	s6 =	sadd.s32 $0x13800, s6  }
0x14: {  	s22 =	smax.u32 s7, $0x1;
	s23 =	simm.s32 $0x280;
	s25 =	simm.s32 $0x380  }
0x15: {  	s7 =	simm.s32 $0x2;
	s11 =	simm.s32 $0x3;
	[dreg:$0x16] =	wrdreg s26  }
0x16: {  	s28 =	sadd.s32 s9, s10;
	s10 =	sadd.s32 $0x20, s26;
	[dreg:$0x1c] =	wrdreg s22  }
0x17: {  	s14 =	sadd.s32 $0x40, s26;
	s9 =	sshrl.u32 s13, $0x3;
	[dreg:$0xb] =	wrdreg s23  }
0x18: {  	s15 =	sadd.s32 $0x60, s26;
	s5 =	sadd.s32 s5, s6;
	[dreg:$0xc] =	wrdreg s25  }
0x19: {  	s22 =	simm.s32 $0x200;
	s26 =	simm.s32 $0x480;
	[dreg:$0x17] =	wrdreg s10  }
0x1a: {  	s23 =	simm.s32 $0x300;
	s13 =	simm.s32 $0x5;
	[dreg:$0x18] =	wrdreg s14  }
0x1b: {  	s8 =	sshll.u32 s28, $0x5;
	[dreg:$0x19] =	wrdreg s15;
	s16 =	sadd.s32 s2, s9  }
0x1c: {  	s5 =	sshrl.u32 s5, $0x3;
	[dreg:$0xd] =	wrdreg s26;
	s28 =	simm.s32 $0x580  }
0x1d: {  	s26 =	simm.s32 $0x80;
	s9 =	simm.s32 $0x500;
	[dreg:$0x1a] =	wrdreg s16  }
0x1e: {  	s0 =	sadd.s32 s8, s0;
	s2 =	sadd.s32 s2, s5;
	[dreg:$0xe] =	wrdreg s28  }
0x1f: {  	s10 =	simm.s32 $0xA;
	s17 =	sadd.s32 $0xA0, s0;
	[dreg:$0x1b] =	wrdreg s2  }
0x20: {  	s14 =	simm.s32 $0xB;
	s18 =	sadd.s32 $0x80, s0;
	[dreg:$0x5] =	wrdreg s17  }
0x21: {  	s15 =	simm.s32 $0xC;
	s19 =	sadd.s32 $0x120, s0;
	[dreg:$0x6] =	wrdreg s18  }
0x22: {  	s5 =	sadd.s32 s6, s3;
	s20 =	sadd.s32 $0x100, s0;
	[dreg:$0x7] =	wrdreg s19  }
0x23: {  	s6 =	simm.s32 $0x8600;
	s21 =	sadd.s32 $0xE0, s0;
	[dreg:$0x8] =	wrdreg s20  }
0x24: {  	s8 =	simm.s32 $0x4;
	s0 =	sadd.s32 $0xC0, s0;
	[dreg:$0x9] =	wrdreg s21  }
0x25: {  	s2 =	simm.s32 $0x6;
	[dreg:$0xa] =	wrdreg s0;
	s19 =	simm.s32 $0x600  }
0x26: {  	s20 =	simm.s32 $0xD;
	s21 =	simm.s32 $0x100;
	s0 =	sshrl.u32 @!p0 s5, $0x3  }
0x27: {  	v0 =	vimm.f32 $0.0e+00;
	s17 =	simm.s32 $0x0;
	[dreg:$0x1d] =	wrdreg s0;
	s0 =	simm.s32 $0x400  }
.LBB2_1:
0x28: {  	s12 =	simm.s32 $0x0;
	s18 =	simm.s32 $0x200  }
.LBB2_2:
0x29: {  	p1 =	sne.s32 s18, $0xEE00;
	[tilespmem:s12+$0x670] =	vst v0  }
0x2a: {  	[tilespmem:s12+$0x600] =	vst v0  }
0x2b: {  	[tilespmem:s12+$0x610] =	vst v0  }
.Ltmp0:
0x2c: {  	[tilespmem:s12+$0x620] =	vst v0;
	(pc) =	sbr.rel @p1 .LBB2_2-.Ltmp0, $4  }
0x2d: {  	[tilespmem:s12+$0x630] =	vst v0  }
0x2e: {  	[tilespmem:s12+$0x640] =	vst v0  }
0x2f: {  	[tilespmem:s12+$0x650] =	vst v0  }
0x30: {  	[tilespmem:s12+$0x660] =	vst v0;
	s12 =	sshra.s32 s18, $0x2;
	s18 =	sadd.s32 $0x200, s18  }
0x31: {  	[tilespmem:s12+$0x670] =	vst v0  }
0x32: {  	[tilespmem:s12+$0x600] =	vst v0  }
0x33: {  	[tilespmem:s12+$0x610] =	vst v0  }
0x34: {  	[tilespmem:s12+$0x620] =	vst v0  }
0x35: {  	[tilespmem:s12+$0x630] =	vst v0  }
0x36: {  	[tilespmem:s12+$0x640] =	vst v0  }
0x37: {  	[tilespmem:s12+$0x650] =	vst v0  }
0x38: {  	[dreg:$0x1e] =	wrdreg s17;
	[tilespmem:s12+$0x660] =	vst v0  }
0x39: {  	[spmem:s24] =	stream.linear.scatter [tilespmem:s19], [sflag:$0xD], $0x3C00, $0x38;
	[tilespmem:$0x1FE80] =	vst v63  }
0x3a: {  	_ =	swait.ge [sflag:s20], $0x3C00  }
0x3b: {  	[sflag:s20] =	ssyncset.done $0x0  }
0x3c: {  	s5 =	rddreg [dreg:$0x10];
	[sflag:s20] =	ssyncadd.s32 $0xFFFFC400  }
0x3d: {  	[spmem:s5] =	stream.linear.scatter [tilespmem:s19], [sflag:$0xD], $0x3C00, $0x38;
	[tilespmem:$0x1FE80] =	vst v63  }
0x3e: {  	_ =	swait.ge [sflag:s20], $0x3C00  }
0x3f: {  	[sflag:s20] =	ssyncset.done $0x0  }
0x40: {  	s24 =	rddreg [dreg:$0x11];
	[sflag:s20] =	ssyncadd.s32 $0xFFFFC400  }
0x41: {  	[spmem:s24] =	stream.linear.scatter [tilespmem:s19], [sflag:$0xD], $0x3C00, $0x38;
	[tilespmem:$0x1FE80] =	vst v63  }
0x42: {  	_ =	swait.ge [sflag:s20], $0x3C00  }
0x43: {  	[sflag:s20] =	ssyncset.done $0x0  }
0x44: {  	s25 =	rddreg [dreg:$0x12];
	[sflag:s20] =	ssyncadd.s32 $0xFFFFC400  }
0x45: {  	[spmem:s25] =	stream.linear.scatter [tilespmem:s19], [sflag:$0xD], $0x3C00, $0x38;
	[tilespmem:$0x1FE80] =	vst v63  }
0x46: {  	_ =	swait.ge [sflag:s20], $0x3C00  }
0x47: {  	[sflag:s20] =	ssyncset.done $0x0  }
0x48: {  	s12 =	rddreg [dreg:$0x13];
	[sflag:s20] =	ssyncadd.s32 $0xFFFFC400  }
0x49: {  	[spmem:s12] =	stream.linear.scatter [tilespmem:s19], [sflag:$0xD], $0x3C00, $0x38;
	[tilespmem:$0x1FE80] =	vst v63  }
0x4a: {  	_ =	swait.ge [sflag:s20], $0x3C00  }
0x4b: {  	[sflag:s20] =	ssyncset.done $0x0  }
0x4c: {  	s16 =	rddreg [dreg:$0x14];
	[sflag:s20] =	ssyncadd.s32 $0xFFFFC400  }
0x4d: {  	[spmem:s16] =	stream.linear.scatter [tilespmem:s19], [sflag:$0xD], $0xC00, $0x38;
	[tilespmem:$0x1FE80] =	vst v63  }
0x4e: {  	_ =	swait.ge [sflag:s20], $0xC00  }
0x4f: {  	[sflag:s20] =	ssyncset.done $0x0  }
0x50: {  	s5 =	simm.s32 @!p0 $0x600;
	s12 =	rddreg [dreg:$0x15];
	[sflag:s20] =	ssyncadd.s32 $0xFFFFF400  }
0x51: {  	[spmem:s12] =	stream.linear.scatter @!p0 [tilespmem:s5], [sflag:$0xD], $0x400, $0x38;
	[tilespmem:$0x1FE80] =	vst v63  }
0x52: {  	s5 =	simm.s32 @!p0 $0xD  }
0x53: {  	_ =	swait.ge @!p0 [sflag:s5], $0x400  }
0x54: {  	[sflag:s5] =	ssyncset.done @!p0 $0x0  }
0x55: {  	[sflag:s5] =	ssyncadd.s32 @!p0 $0xFFFFFC00  }
0x56: {  	[bflag:$0x0] =	sbarrier.arrive $0xFFFF  }
0x57: {  	s17 =	simm.s32 $0x0;
	s18 =	rddreg [dreg:$0x16]  }
0x58: {  	[tilespmem:s17], [sflag:$0x7] =	stream.linear.gather [hbm4b:s18+s17], $0x100, $0x38;
	[tilespmem:$0x1FE80] =	vst v63  }
0x59: {  	s24 =	rddreg [dreg:$0x17]  }
0x5a: {  	[tilespmem:s21], [sflag:$0x8] =	stream.linear.gather [hbm4b:s24+s17], $0x100, $0x38;
	[tilespmem:$0x1FE80] =	vst v63  }
0x5b: {  	s25 =	rddreg [dreg:$0x18]  }
0x5c: {  	[tilespmem:s22], [sflag:$0x9] =	stream.linear.gather [hbm4b:s25+s17], $0x100, $0x38;
	[tilespmem:$0x1FE80] =	vst v63  }
0x5d: {  	s16 =	rddreg [dreg:$0x19]  }
0x5e: {  	[tilespmem:s23], [sflag:$0xA] =	stream.linear.gather [hbm4b:s16+s17], $0x100, $0x38;
	[tilespmem:$0x1FE80] =	vst v63  }
0x5f: {  	s17 =	simm.s32 $0x7  }
0x60: {  	_ =	swait.ge [sflag:s17], $0x100  }
0x61: {  	[sflag:s17] =	ssyncset.done $0x0  }
0x62: {  	s18 =	simm.s32 $0x8;
	[sflag:s17] =	ssyncadd.s32 $0xFFFFFF00  }
0x63: {  	[tilespmem:s19], [sflag:$0x1] =	stream.indirect.gather [hbm4b:s1+s26], $0x80, s26, s26, $0xb8;
	[tilespmem:$0x1FE80] =	vst v63  }
0x64: {  	_ =	swait.ge [sflag:s18], $0x100  }
0x65: {  	[sflag:s18] =	ssyncset.done $0x0  }
0x66: {  	s24 =	simm.s32 $0x180;
	[sflag:s18] =	ssyncadd.s32 $0xFFFFFF00  }
0x67: {  	[tilespmem:s30], [sflag:$0x2] =	stream.indirect.gather [hbm4b:s1+s26], $0x80, s24, s26, $0xb8;
	[tilespmem:$0x1FE80] =	vst v63  }
0x68: {  	_ =	swait.ge [sflag:s31], $0x4000  }
0x69: {  	p1 =	por $0x1, $0x1;
	[sflag:s31] =	ssyncset.done $0x0  }
0x6a: {  	s5 =	simm.s32 @!p1 $0x6;
	[sflag:s31] =	ssyncadd.s32 $0xFFFFC000  }
0x6b: {  	[spmem:s3] =	stream.indirect.scatter.add.f32 [tilespmem:s19], [sflag:$0x4], $0x80, s4, s26, $0xb8;
	[tilespmem:$0x1FE80] =	vst v63  }
0x6c: {  	_ =	swait.ge @!p1 [sflag:s5], $0x4000  }
0x6d: {  	s25 =	rddreg [dreg:$0x6];
	[sflag:s5] =	ssyncset.done @!p1 $0x0  }
0x6e: {  	[sflag:s5] =	ssyncadd.s32 @!p1 $0xFFFFC000;
	s12 =	sadd.s32 $0x0, s25  }
0x6f: {  	[tilespmem:s0], [sflag:$0xB] =	stream.linear.gather [hbm4b:s12+s4], $0x100, $0x38;
	[tilespmem:$0x1FE80] =	vst v63  }
0x70: {  	_ =	swait.ge [sflag:s29], $0x100  }
0x71: {  	[sflag:s29] =	ssyncset.done $0x0  }
0x72: {  	s16 =	rddreg [dreg:$0xb];
	[sflag:s29] =	ssyncadd.s32 $0xFFFFFF00  }
0x73: {  	[tilespmem:s6], [sflag:$0x3] =	stream.indirect.gather [hbm4b:s1+s26], $0x80, s16, s26, $0xb8;
	[tilespmem:$0x1FE80] =	vst v63  }
0x74: {  	_ =	swait.ge [sflag:s7], $0x4000  }
0x75: {  	[sflag:s7] =	ssyncset.done $0x0  }
0x76: {  	[sflag:s7] =	ssyncadd.s32 $0xFFFFC000  }
0x77: {  	[spmem:s3] =	stream.indirect.scatter.add.f32 [tilespmem:s30], [sflag:$0x5], $0x80, s21, s26, $0xb8;
	[tilespmem:$0x1FE80] =	vst v63  }
0x78: {  	_ =	swait.ge [sflag:s8], $0x4000  }
0x79: {  	s17 =	rddreg [dreg:$0x5];
	[sflag:s8] =	ssyncset.done $0x0  }
0x7a: {  	[sflag:s8] =	ssyncadd.s32 $0xFFFFC000;
	s5 =	sadd.s32 $0x0, s17  }
0x7b: {  	[tilespmem:s9], [sflag:$0xC] =	stream.linear.gather [hbm4b:s5+s4], $0x100, $0x38;
	[tilespmem:$0x1FE80] =	vst v63  }
0x7c: {  	_ =	swait.ge [sflag:s10], $0x100  }
0x7d: {  	[sflag:s10] =	ssyncset.done $0x0  }
0x7e: {  	s18 =	rddreg [dreg:$0xc];
	[sflag:s10] =	ssyncadd.s32 $0xFFFFFF00  }
0x7f: {  	[tilespmem:s19], [sflag:$0x1] =	stream.indirect.gather [hbm4b:s1+s26], $0x80, s18, s26, $0xb8;
	[tilespmem:$0x1FE80] =	vst v63  }
0x80: {  	_ =	swait.ge [sflag:s11], $0x4000  }
0x81: {  	[sflag:s11] =	ssyncset.done $0x0  }
0x82: {  	s18 =	simm.s32 @!p0 $0x4F;
	[sflag:s11] =	ssyncadd.s32 $0xFFFFC000  }
0x83: {  	[spmem:s3] =	stream.indirect.scatter.add.f32 [tilespmem:s6], [sflag:$0x6], $0x80, s22, s26, $0xb8;
	[tilespmem:$0x1FE80] =	vst v63  }
0x84: {  	s18 =	simm.s32 @p0 $0x4E;
	_ =	swait.ge [sflag:s13], $0x4000  }
0x85: {  	p1 =	sle.u32 s18, $0x6;
	s5 =	rddreg [dreg:$0xa];
	[sflag:s13] =	ssyncset.done $0x0  }
0x86: {  	s12 =	simm.s32 @!p1 $0x0;
	[sflag:s13] =	ssyncadd.s32 $0xFFFFC000;
	s5 =	sadd.s32 @!p1 $0x0, s5  }
0x87: {  	[tilespmem:s12], [sflag:$0x7] =	stream.linear.gather @!p1 [hbm4b:s5+s12], $0x100, $0x38;
	[tilespmem:$0x1FE80] =	vst v63  }
0x88: {  	_ =	swait.ge [sflag:s14], $0x100  }
0x89: {  	[sflag:s14] =	ssyncset.done $0x0  }
0x8a: {  	s24 =	rddreg [dreg:$0xd];
	[sflag:s14] =	ssyncadd.s32 $0xFFFFFF00  }
0x8b: {  	[tilespmem:s30], [sflag:$0x2] =	stream.indirect.gather [hbm4b:s1+s26], $0x80, s24, s26, $0xb8;
	[tilespmem:$0x1FE80] =	vst v63  }
0x8c: {  	_ =	swait.ge [sflag:s31], $0x4000  }
0x8d: {  	[sflag:s31] =	ssyncset.done $0x0  }
0x8e: {  	[sflag:s31] =	ssyncadd.s32 $0xFFFFC000  }
0x8f: {  	[spmem:s3] =	stream.indirect.scatter.add.f32 [tilespmem:s19], [sflag:$0x4], $0x80, s23, s26, $0xb8;
	[tilespmem:$0x1FE80] =	vst v63  }
0x90: {  	p2 =	sle.u32 s18, $0x7;
	_ =	swait.ge [sflag:s2], $0x4000  }
0x91: {  	s16 =	simm.s32 @!p2 $0x100;
	s5 =	rddreg [dreg:$0x9];
	[sflag:s2] =	ssyncset.done $0x0  }
0x92: {  	s12 =	simm.s32 @!p2 $0x0;
	[sflag:s2] =	ssyncadd.s32 $0xFFFFC000;
	s5 =	sadd.s32 @!p2 $0x0, s5  }
0x93: {  	[tilespmem:s16], [sflag:$0x8] =	stream.linear.gather @!p2 [hbm4b:s5+s12], $0x100, $0x38;
	[tilespmem:$0x1FE80] =	vst v63  }
0x94: {  	_ =	swait.ge [sflag:s15], $0x100  }
0x95: {  	[sflag:s15] =	ssyncset.done $0x0  }
0x96: {  	s25 =	rddreg [dreg:$0xe];
	[sflag:s15] =	ssyncadd.s32 $0xFFFFFF00  }
0x97: {  	[tilespmem:s6], [sflag:$0x3] =	stream.indirect.gather [hbm4b:s1+s26], $0x80, s25, s26, $0xb8;
	[tilespmem:$0x1FE80] =	vst v63  }
0x98: {  	_ =	swait.ge [sflag:s7], $0x4000  }
0x99: {  	[sflag:s7] =	ssyncset.done $0x0  }
0x9a: {  	[sflag:s7] =	ssyncadd.s32 $0xFFFFC000  }
0x9b: {  	[spmem:s3] =	stream.indirect.scatter.add.f32 [tilespmem:s30], [sflag:$0x5], $0x80, s0, s26, $0xb8;
	[tilespmem:$0x1FE80] =	vst v63  }
0x9c: {  	p3 =	sle.u32 s18, $0x8;
	s24 =	simm.s32 @!p1 $0x7;
	_ =	swait.ge [sflag:s8], $0x4000  }
0x9d: {  	s12 =	simm.s32 @!p3 $0x0;
	s5 =	rddreg [dreg:$0x8];
	[sflag:s8] =	ssyncset.done $0x0  }
0x9e: {  	s16 =	simm.s32 @!p3 $0x200;
	[sflag:s8] =	ssyncadd.s32 $0xFFFFC000;
	s5 =	sadd.s32 @!p3 $0x0, s5  }
0x9f: {  	[tilespmem:s16], [sflag:$0x9] =	stream.linear.gather @!p3 [hbm4b:s5+s12], $0x100, $0x38;
	[tilespmem:$0x1FE80] =	vst v63  }
0xa0: {  	_ =	swait.ge @!p1 [sflag:s24], $0x100  }
0xa1: {  	[sflag:s24] =	ssyncset.done @!p1 $0x0  }
0xa2: {  	s5 =	simm.s32 @!p1 $0x80;
	s12 =	simm.s32 @!p1 $0x600;
	[sflag:s24] =	ssyncadd.s32 @!p1 $0xFFFFFF00  }
0xa3: {  	[tilespmem:s12], [sflag:$0x1] =	stream.indirect.gather @!p1 [hbm4b:s1+s5], $0x80, s5, s5, $0xb8;
	[tilespmem:$0x1FE80] =	vst v63  }
0xa4: {  	_ =	swait.ge [sflag:s11], $0x4000  }
0xa5: {  	[sflag:s11] =	ssyncset.done $0x0  }
0xa6: {  	s28 =	simm.s32 @!p2 $0x80;
	[sflag:s11] =	ssyncadd.s32 $0xFFFFC000  }
0xa7: {  	[spmem:s3] =	stream.indirect.scatter.add.f32 [tilespmem:s6], [sflag:$0x6], $0x80, s9, s26, $0xb8;
	[tilespmem:$0x1FE80] =	vst v63  }
0xa8: {  	s24 =	simm.s32 @!p2 $0x8;
	p1 =	sle.u32 s18, $0x9;
	_ =	swait.ge [sflag:s13], $0x4000  }
0xa9: {  	s12 =	simm.s32 @!p1 $0x0;
	s5 =	rddreg [dreg:$0x7];
	[sflag:s13] =	ssyncset.done $0x0  }
0xaa: {  	s16 =	simm.s32 @!p1 $0x300;
	[sflag:s13] =	ssyncadd.s32 $0xFFFFC000;
	s5 =	sadd.s32 @!p1 $0x0, s5  }
0xab: {  	[tilespmem:s16], [sflag:$0xA] =	stream.linear.gather @!p1 [hbm4b:s5+s12], $0x100, $0x38;
	[tilespmem:$0x1FE80] =	vst v63  }
0xac: {  	s25 =	simm.s32 $0x9;
	s12 =	simm.s32 $0xC0;
	_ =	swait.ge @!p2 [sflag:s24], $0x100  }
0xad: {  	s16 =	simm.s32 @!p2 $0x180;
	s5 =	simm.s32 @!p2 $0x4600;
	[sflag:s24] =	ssyncset.done @!p2 $0x0  }
.LBB2_4:
0xae: {  	[sflag:s24] =	ssyncadd.s32 @!p2 $0xFFFFFF00  }
0xaf: {  	[tilespmem:s5], [sflag:$0x2] =	stream.indirect.gather @!p2 [hbm4b:s1+s28], $0x80, s16, s28, $0xb8;
	[tilespmem:$0x1FE80] =	vst v63  }
0xb0: {  	s24 =	smov.u32 s12;
	_ =	swait.ge [sflag:s31], $0x4000  }
0xb1: {  	p2 =	seq.s32 s24, $0x0;
	[sflag:s31] =	ssyncset.done $0x0  }
0xb2: {  	s5 =	simm.s32 @!p2 $0x6;
	[sflag:s31] =	ssyncadd.s32 $0xFFFFC000  }
0xb3: {  	[spmem:s3] =	stream.indirect.scatter.add.f32 [tilespmem:s19], [sflag:$0x4], $0x80, s4, s26, $0xb8;
	[tilespmem:$0x1FE80] =	vst v63  }
0xb4: {  	_ =	swait.ge @!p2 [sflag:s5], $0x4000  }
0xb5: {  	[sflag:s5] =	ssyncset.done @!p2 $0x0;
	s17 =	rddreg [dreg:$0x6]  }
0xb6: {  	[sflag:s5] =	ssyncadd.s32 @!p2 $0xFFFFC000;
	s17 =	sadd.s32 s24, s17  }
0xb7: {  	[tilespmem:s0], [sflag:$0xB] =	stream.linear.gather [hbm4b:s17+s4], $0x100, $0x38;
	[tilespmem:$0x1FE80] =	vst v63  }
0xb8: {  	_ =	swait.ge [sflag:s29], $0x100  }
0xb9: {  	[sflag:s29] =	ssyncset.done $0x0  }
0xba: {  	s16 =	rddreg [dreg:$0xb];
	[sflag:s29] =	ssyncadd.s32 $0xFFFFFF00  }
0xbb: {  	[tilespmem:s6], [sflag:$0x3] =	stream.indirect.gather [hbm4b:s1+s26], $0x80, s16, s26, $0xb8;
	[tilespmem:$0x1FE80] =	vst v63  }
0xbc: {  	_ =	swait.ge [sflag:s7], $0x4000  }
0xbd: {  	[sflag:s7] =	ssyncset.done $0x0  }
0xbe: {  	[sflag:s7] =	ssyncadd.s32 $0xFFFFC000  }
0xbf: {  	[spmem:s3] =	stream.indirect.scatter.add.f32 [tilespmem:s30], [sflag:$0x5], $0x80, s21, s26, $0xb8;
	[tilespmem:$0x1FE80] =	vst v63  }
0xc0: {  	_ =	swait.ge [sflag:s8], $0x4000  }
0xc1: {  	s17 =	rddreg [dreg:$0x5];
	[sflag:s8] =	ssyncset.done $0x0  }
0xc2: {  	[sflag:s8] =	ssyncadd.s32 $0xFFFFC000;
	s5 =	sadd.s32 s24, s17  }
0xc3: {  	[tilespmem:s9], [sflag:$0xC] =	stream.linear.gather [hbm4b:s5+s4], $0x100, $0x38;
	[tilespmem:$0x1FE80] =	vst v63  }
0xc4: {  	_ =	swait.ge [sflag:s10], $0x100  }
0xc5: {  	[sflag:s10] =	ssyncset.done $0x0  }
0xc6: {  	s16 =	rddreg [dreg:$0xc];
	[sflag:s10] =	ssyncadd.s32 $0xFFFFFF00  }
0xc7: {  	[tilespmem:s19], [sflag:$0x1] =	stream.indirect.gather [hbm4b:s1+s26], $0x80, s16, s26, $0xb8;
	[tilespmem:$0x1FE80] =	vst v63  }
0xc8: {  	_ =	swait.ge [sflag:s11], $0x4000  }
0xc9: {  	[sflag:s11] =	ssyncset.done $0x0  }
0xca: {  	s25 =	sadd.s32 $0x6, s25;
	[sflag:s11] =	ssyncadd.s32 $0xFFFFC000  }
0xcb: {  	[spmem:s3] =	stream.indirect.scatter.add.f32 [tilespmem:s6], [sflag:$0x6], $0x80, s22, s26, $0xb8;
	[tilespmem:$0x1FE80] =	vst v63  }
0xcc: {  	s17 =	sadd.s32 $0xFFFFFFFD, s25;
	_ =	swait.ge [sflag:s13], $0x4000  }
0xcd: {  	p3 =	sge.u32 s17, s18;
	s16 =	rddreg [dreg:$0xa];
	[sflag:s13] =	ssyncset.done $0x0  }
0xce: {  	s5 =	simm.s32 @!p3 $0x0;
	[sflag:s13] =	ssyncadd.s32 $0xFFFFC000;
	s16 =	sadd.s32 @!p3 s24, s16  }
0xcf: {  	[tilespmem:s5], [sflag:$0x7] =	stream.linear.gather @!p3 [hbm4b:s16+s5], $0x100, $0x38;
	[tilespmem:$0x1FE80] =	vst v63  }
0xd0: {  	_ =	swait.ge [sflag:s14], $0x100  }
0xd1: {  	[sflag:s14] =	ssyncset.done $0x0  }
0xd2: {  	s16 =	rddreg [dreg:$0xd];
	[sflag:s14] =	ssyncadd.s32 $0xFFFFFF00  }
0xd3: {  	[tilespmem:s30], [sflag:$0x2] =	stream.indirect.gather [hbm4b:s1+s26], $0x80, s16, s26, $0xb8;
	[tilespmem:$0x1FE80] =	vst v63  }
0xd4: {  	_ =	swait.ge [sflag:s31], $0x4000  }
0xd5: {  	[sflag:s31] =	ssyncset.done $0x0  }
0xd6: {  	s17 =	sadd.s32 $0xFFFFFFFE, s25;
	[sflag:s31] =	ssyncadd.s32 $0xFFFFC000  }
0xd7: {  	[spmem:s3] =	stream.indirect.scatter.add.f32 [tilespmem:s19], [sflag:$0x4], $0x80, s23, s26, $0xb8;
	[tilespmem:$0x1FE80] =	vst v63  }
0xd8: {  	p2 =	sge.u32 s17, s18;
	_ =	swait.ge [sflag:s2], $0x4000  }
0xd9: {  	s28 =	simm.s32 @!p2 $0x100;
	s16 =	rddreg [dreg:$0x9];
	[sflag:s2] =	ssyncset.done $0x0  }
0xda: {  	s5 =	simm.s32 @!p2 $0x0;
	[sflag:s2] =	ssyncadd.s32 $0xFFFFC000;
	s16 =	sadd.s32 @!p2 s24, s16  }
0xdb: {  	[tilespmem:s28], [sflag:$0x8] =	stream.linear.gather @!p2 [hbm4b:s16+s5], $0x100, $0x38;
	[tilespmem:$0x1FE80] =	vst v63  }
0xdc: {  	_ =	swait.ge [sflag:s15], $0x100  }
0xdd: {  	[sflag:s15] =	ssyncset.done $0x0  }
0xde: {  	s16 =	rddreg [dreg:$0xe];
	[sflag:s15] =	ssyncadd.s32 $0xFFFFFF00  }
0xdf: {  	[tilespmem:s6], [sflag:$0x3] =	stream.indirect.gather [hbm4b:s1+s26], $0x80, s16, s26, $0xb8;
	[tilespmem:$0x1FE80] =	vst v63  }
0xe0: {  	_ =	swait.ge [sflag:s7], $0x4000  }
0xe1: {  	[sflag:s7] =	ssyncset.done $0x0  }
0xe2: {  	s17 =	sadd.s32 $0xFFFFFFFF, s25;
	[sflag:s7] =	ssyncadd.s32 $0xFFFFC000  }
0xe3: {  	[spmem:s3] =	stream.indirect.scatter.add.f32 [tilespmem:s30], [sflag:$0x5], $0x80, s0, s26, $0xb8;
	[tilespmem:$0x1FE80] =	vst v63  }
0xe4: {  	p4 =	sge.u32 s17, s18;
	s17 =	simm.s32 @!p3 $0x7;
	_ =	swait.ge [sflag:s8], $0x4000  }
0xe5: {  	s5 =	simm.s32 @!p4 $0x0;
	s16 =	rddreg [dreg:$0x8];
	[sflag:s8] =	ssyncset.done $0x0  }
0xe6: {  	s28 =	simm.s32 @!p4 $0x200;
	[sflag:s8] =	ssyncadd.s32 $0xFFFFC000;
	s16 =	sadd.s32 @!p4 s24, s16  }
0xe7: {  	[tilespmem:s28], [sflag:$0x9] =	stream.linear.gather @!p4 [hbm4b:s16+s5], $0x100, $0x38;
	[tilespmem:$0x1FE80] =	vst v63  }
0xe8: {  	_ =	swait.ge @!p3 [sflag:s17], $0x100  }
0xe9: {  	[sflag:s17] =	ssyncset.done @!p3 $0x0  }
0xea: {  	s5 =	simm.s32 @!p3 $0x80;
	s16 =	simm.s32 @!p3 $0x600;
	[sflag:s17] =	ssyncadd.s32 @!p3 $0xFFFFFF00  }
0xeb: {  	[tilespmem:s16], [sflag:$0x1] =	stream.indirect.gather @!p3 [hbm4b:s1+s5], $0x80, s5, s5, $0xb8;
	[tilespmem:$0x1FE80] =	vst v63  }
0xec: {  	_ =	swait.ge [sflag:s11], $0x4000  }
0xed: {  	s12 =	sadd.s32 $0xC0, s12;
	[sflag:s11] =	ssyncset.done $0x0  }
0xee: {  	p1 =	sne.s32 s12, $0x9C0;
	p3 =	sge.u32 s25, s18;
	[sflag:s11] =	ssyncadd.s32 $0xFFFFC000  }
0xef: {  	[spmem:s3] =	stream.indirect.scatter.add.f32 [tilespmem:s6], [sflag:$0x6], $0x80, s9, s26, $0xb8;
	[tilespmem:$0x1FE80] =	vst v63  }
0xf0: {  	s16 =	simm.s32 @!p3 $0x0;
	s17 =	simm.s32 @!p3 $0x300;
	_ =	swait.ge [sflag:s13], $0x4000  }
.Ltmp1:
0xf1: {  	s5 =	rddreg [dreg:$0x7];
	[sflag:s13] =	ssyncset.done $0x0;
	(pc) =	sbr.rel @p1 .LBB2_4-.Ltmp1, $4  }
0xf2: {  	[sflag:s13] =	ssyncadd.s32 $0xFFFFC000;
	s5 =	sadd.s32 @!p3 s24, s5;
	s24 =	simm.s32 @!p2 $0x8  }
0xf3: {  	[tilespmem:s17], [sflag:$0xA] =	stream.linear.gather @!p3 [hbm4b:s5+s16], $0x100, $0x38;
	[tilespmem:$0x1FE80] =	vst v63  }
0xf4: {  	s28 =	simm.s32 @!p2 $0x80;
	_ =	swait.ge @!p2 [sflag:s24], $0x100  }
0xf5: {  	s16 =	simm.s32 @!p2 $0x180;
	s5 =	simm.s32 @!p2 $0x4600;
	[sflag:s24] =	ssyncset.done @!p2 $0x0  }
0xf6: {  	[sflag:s24] =	ssyncadd.s32 @!p2 $0xFFFFFF00  }
0xf7: {  	[tilespmem:s5], [sflag:$0x2] =	stream.indirect.gather @!p2 [hbm4b:s1+s28], $0x80, s16, s28, $0xb8;
	[tilespmem:$0x1FE80] =	vst v63  }
0xf8: {  	s5 =	simm.s32 @p0 $0x6  }
0xf9: {  	_ =	swait.ge @p0 [sflag:s5], $0x4000  }
0xfa: {  	[sflag:s5] =	ssyncset.done @p0 $0x0  }
0xfb: {  	[sflag:s5] =	ssyncadd.s32 @p0 $0xFFFFC000  }
0xfc: {  	s17 =	stileid.u32;
	[bflag:$0x0] =	sbarrier.arrive @p0 $0xFFFF  }
0xfd: {  	s5 =	sshll.u32 @p0 s17, $0x6;
	s24 =	rddreg [dreg:$0xf]  }
0xfe: {  	s5 =	sor.u32 @p0 $0x1C0D, s5;
	s18 =	rddreg [dreg:$0x1a];
	s12 =	sshrl.u32 @p0 s24, $0x3  }
0xff: {  	[hbm:s18], [sflag:s5] =	dma.local @p0 [spmem:s12], $0x2700  }
0x100: {  	s5 =	simm.s32 @p0 $0xD  }
0x101: {  	_ =	swait.ge @p0 [sflag:s5], $0x2700  }
0x102: {  	[sflag:s5] =	ssyncset.done @p0 $0x0  }
0x103: {  	[sflag:s5] =	ssyncadd.s32 @p0 $0xFFFFD900;
	s5 =	simm.s32 @!p0 $0x1  }
0x104: {  	_ =	swait.ge @!p0 [sflag:s5], $0x4000  }
0x105: {  	s16 =	simm.s32 @!p0 $0x600;
	[sflag:s5] =	ssyncset.done @!p0 $0x0  }
0x106: {  	s12 =	simm.s32 @!p0 $0x0;
	[sflag:s5] =	ssyncadd.s32 @!p0 $0xFFFFC000;
	s5 =	simm.s32 @!p0 $0x80  }
0x107: {  	[spmem:s3] =	stream.indirect.scatter.add.f32 @!p0 [tilespmem:s16], [sflag:$0x4], $0x80, s12, s5, $0xb8;
	[tilespmem:$0x1FE80] =	vst v63  }
0x108: {  	s5 =	simm.s32 @!p0 $0x6  }
0x109: {  	_ =	swait.ge @!p0 [sflag:s5], $0x4000  }
0x10a: {  	[sflag:s5] =	ssyncset.done @!p0 $0x0  }
0x10b: {  	[sflag:s5] =	ssyncadd.s32 @!p0 $0xFFFFC000;
	s5 =	simm.s32 @!p0 $0x4  }
0x10c: {  	_ =	swait.ge @!p0 [sflag:s5], $0x4000  }
0x10d: {  	[sflag:s5] =	ssyncset.done @!p0 $0x0  }
0x10e: {  	[sflag:s5] =	ssyncadd.s32 @!p0 $0xFFFFC000;
	s5 =	sshll.u32 @!p0 s17, $0x6  }
0x10f: {  	s12 =	sshrl.u32 @!p0 s24, $0x3;
	[bflag:$0x0] =	sbarrier.arrive @!p0 $0xFFFF;
	s5 =	sor.u32 @!p0 $0x1C0D, s5  }
0x110: {  	[hbm:s18], [sflag:s5] =	dma.local @!p0 [spmem:s12], $0x2700  }
0x111: {  	s12 =	simm.s32 @!p0 $0xD  }
0x112: {  	_ =	swait.ge @!p0 [sflag:s12], $0x2700  }
0x113: {  	[sflag:s12] =	ssyncset.done @!p0 $0x0;
	s17 =	rddreg [dreg:$0x1b]  }
0x114: {  	s18 =	rddreg [dreg:$0x1d];
	[sflag:s12] =	ssyncadd.s32 @!p0 $0xFFFFD900  }
0x115: {  	[hbm:s17], [sflag:s5] =	dma.local @!p0 [spmem:s18], $0x80  }
0x116: {  	_ =	swait.ge @!p0 [sflag:s12], $0x80  }
0x117: {  	s25 =	rddreg [dreg:$0x1e]  }
0x118: {  	s28 =	rddreg [dreg:$0x1c];
	s17 =	sadd.s32 $0x1, s25  }
0x119: {  	p1 =	sne.s32 s17, s28  }
.Ltmp2:
0x11a: {  	_ = 	snop;
	(pc) =	sbr.rel @p1 .LBB2_1-.Ltmp2, $3  }
0x11b: {  	_ =	sdelay $0x1  }
0x11c: {  	[sflag:s12] =	ssyncset.done @!p0 $0x0  }
0x11d: {  	s16 =	stileid.u32;
	[sflag:s12] =	ssyncadd.s32 @!p0 $0xFFFFFF80  }
0x11e: {  	_ =	sfence.sel $0x180000  }
0x11f: {  	[bflag:$0x0] =	sbarrier.arrive $0xFFFF  }
0x120: {  	_ =	strace $0x90000047  }
0x121: {  	[bflag:$0x2] =	sbarrier.arrive $0xFFFF  }
0x122: {  	p0 =	sne.s32 s16, $0x0;
	s0 =	rddreg [dreg:$0x4]  }
0x123: {  	s0 =	sadd.s32 @!p0 $0x100000, s0  }
0x124: {  	[sflag:s0] =	ssyncadd.tile.s32 @!p0 $0x1;
	_ =	shalt  }
.Lfunc_end2:
_tile_overlayer_lowered:
.L_overlay_start_2:
0x125: {  	(tag) =	ssettag $0x2  }
0x126: {  	s0 =	rddreg [dreg:$0x0];
	s2 =	stileid.u32  }
0x127: {  	s1 =	rddreg [dreg:$0x1];
	p0 =	sne.s32 s2, $0x0  }
0x128: {  	s3 =	rddreg [dreg:$0x2];
	[bflag:$0x3] =	sbarrier.arrive $0xFFFF;
	s2 =	simm.s32 @!p0 $0x1C0D  }
0x129: {  	[timem:s3], [sflag:s2] =	dma.local @!p0 [hbm:s0], s1  }
0x12a: {  	s0 =	simm.s32 @!p0 $0xD  }
0x12b: {  	_ =	swait.ge @!p0 [sflag:s0], s1  }
0x12c: {  	s1 =	ssub.s32 @!p0 $0x0, s1;
	[sflag:s0] =	ssyncset.done @!p0 $0x0  }
0x12d: {  	[sflag:s0] =	ssyncadd.s32 @!p0 s1  }
0x12e: {  	[bflag:$0x3] =	sbarrier.arrive $0xFFFF  }
0x12f: {  	_ =	shalt  }

</sc_bundles>
